<compile_context>
chip_gen: v7x
topology: tpu7x:2x2x1
jax: 0.10.2.dev20260603
libtpu: 0.0.44.dev20260713+nightly
codegen_flags: <defaults>
</compile_context>

<pallas_src>
import jax
import jax.numpy as jnp
from jax import lax
from jax.experimental import pallas as pl
from jax.experimental.pallas import tpu as pltpu
from jax.experimental.pallas import tpu_sc as plsc

T = 2048
HID = 1024
FF = 512
E = 8
K = 2
SFF = 1024
BLK = 256
NP = T * K
G = (NP + E * (BLK - 1) + BLK - 1) // BLK
RS = G * BLK

NW = 32
PW = NP // NW
CH = 128


def _pack2(xbf):
    half = xbf.shape[-1] // 2
    lo = pltpu.bitcast(xbf[:, :half], jnp.int16).astype(jnp.int32) & 0xFFFF
    hi = pltpu.bitcast(xbf[:, half:], jnp.int16).astype(jnp.int32) & 0xFFFF
    return lo | (hi << 16)


def _unpack2(xi):
    lo = pltpu.bitcast((xi & 0xFFFF).astype(jnp.int16), jnp.bfloat16)
    hi = pltpu.bitcast(((xi >> 16) & 0xFFFF).astype(jnp.int16), jnp.bfloat16)
    return jnp.concatenate([lo, hi], axis=-1)


def _router_body(x_ref, gw_ref, b_ref, p1_ref, p2_ref, w1_ref, w2_ref, be_ref,
                 xb_ref):
    x = x_ref[...]
    xb_ref[...] = _pack2(x.astype(jnp.bfloat16))
    logits = jnp.dot(x, gw_ref[...], preferred_element_type=jnp.float32)
    m = jnp.max(logits, axis=-1, keepdims=True)
    ex = jnp.exp(logits - m)
    scores = ex / jnp.sum(ex, axis=-1, keepdims=True)
    choice = scores + b_ref[...]
    lane = lax.broadcasted_iota(jnp.int32, (T, E), 1)
    v1 = jnp.max(choice, axis=-1, keepdims=True)
    e1 = jnp.min(jnp.where(choice == v1, lane, E), axis=-1, keepdims=True)
    ch2 = jnp.where(lane == e1, -jnp.inf, choice)
    v2 = jnp.max(ch2, axis=-1, keepdims=True)
    e2 = jnp.min(jnp.where(ch2 == v2, lane, E), axis=-1, keepdims=True)
    w1 = jnp.sum(jnp.where(lane == e1, scores, 0.0), axis=-1, keepdims=True)
    w2 = jnp.sum(jnp.where(lane == e2, scores, 0.0), axis=-1, keepdims=True)
    tot = w1 + w2
    w1_ref[...] = w1 / tot
    w2_ref[...] = w2 / tot
    ohc = jnp.concatenate(
        [(lane == e1).astype(jnp.bfloat16), (lane == e2).astype(jnp.bfloat16)],
        axis=-1)
    CK = 128
    NCK = T // CK
    rc = lax.broadcasted_iota(jnp.int32, (CK, CK), 0)
    cc = lax.broadcasted_iota(jnp.int32, (CK, CK), 1)
    tric = (cc < rc).astype(jnp.bfloat16)
    locs, tots = [], []
    for ci in range(NCK):
        blk = ohc[ci * CK:(ci + 1) * CK, :]
        loc = jnp.dot(tric, blk, preferred_element_type=jnp.float32)
        locs.append(loc)
        tots.append(loc[CK - 1:CK, :] + blk[CK - 1:CK, :].astype(jnp.float32))
    tot = jnp.concatenate(tots, axis=0)
    r16 = lax.broadcasted_iota(jnp.int32, (NCK, NCK), 0)
    c16 = lax.broadcasted_iota(jnp.int32, (NCK, NCK), 1)
    tri16 = (c16 < r16).astype(jnp.float32)
    off = jnp.dot(tri16, tot, preferred_element_type=jnp.float32)
    rank = jnp.concatenate(
        [locs[ci] + off[ci:ci + 1, :] for ci in range(NCK)], axis=0)
    c1 = rank[:, :E]
    c2 = rank[:, E:]
    allcnt = off[NCK - 1:NCK, :] + tot[NCK - 1:NCK, :]
    cnt1 = allcnt[:, :E]
    counts = cnt1 + allcnt[:, E:]
    pc = jnp.maximum(jnp.ceil(counts * (1.0 / BLK)) * BLK, float(BLK))
    r8 = lax.broadcasted_iota(jnp.int32, (E, E), 0)
    c8 = lax.broadcasted_iota(jnp.int32, (E, E), 1)
    tri8 = (r8 < c8).astype(jnp.float32)
    seg = jnp.dot(pc, tri8, preferred_element_type=jnp.float32)
    p1 = jnp.sum(jnp.where(lane == e1, seg + c1, 0.0), axis=-1, keepdims=True)
    p2 = jnp.sum(jnp.where(lane == e2, seg + cnt1 + c2, 0.0), axis=-1,
                 keepdims=True)
    p1_ref[...] = p1.astype(jnp.int32)
    p2_ref[...] = p2.astype(jnp.int32)
    gb = lax.broadcasted_iota(jnp.int32, (G + 1, E), 0) * BLK
    segi = seg.astype(jnp.int32)
    be = jnp.sum((gb >= segi).astype(jnp.int32), axis=-1, keepdims=True) - 1
    nb = (segi[0, E - 1] + pc.astype(jnp.int32)[0, E - 1]) // BLK
    row = lax.broadcasted_iota(jnp.int32, (G + 1, 1), 0)
    be_ref[...] = jnp.where(row == G, nb, be)


def _router(x, gate_w, bias2d):
    return pl.pallas_call(
        _router_body,
        out_shape=(
            jax.ShapeDtypeStruct((T, 1), jnp.int32),
            jax.ShapeDtypeStruct((T, 1), jnp.int32),
            jax.ShapeDtypeStruct((T, 1), jnp.float32),
            jax.ShapeDtypeStruct((T, 1), jnp.float32),
            jax.ShapeDtypeStruct((G + 1, 1), jnp.int32),
            jax.ShapeDtypeStruct((T, HID // 2), jnp.int32),
        ),
    )(x, gate_w, bias2d)


def _sc_scatter(x, idx):
    mesh = plsc.VectorSubcoreMesh(core_axis_name="c", subcore_axis_name="s")

    @pl.kernel(
        out_type=jax.ShapeDtypeStruct((RS, HID // 2), jnp.int32),
        mesh=mesh,
        scratch_types=[
            pltpu.VMEM((CH,), jnp.int32),
            pltpu.VMEM((CH, HID // 2), jnp.int32),
            pltpu.SemaphoreType.DMA,
        ],
    )
    def _disp(x_hbm, idx_hbm, xs_hbm, idx_v, rows_v, sem):
        cid = lax.axis_index("c")
        sid = lax.axis_index("s")
        wid = sid * 2 + cid
        base = wid * PW
        for chk in range(PW // CH):
            off = base + chk * CH
            pltpu.sync_copy(idx_hbm.at[pl.ds(off, CH)], idx_v)
            src = lax.rem(off, T)
            pltpu.sync_copy(x_hbm.at[pl.ds(src, CH)], rows_v)
            pltpu.async_copy(rows_v, xs_hbm.at[idx_v], sem).wait()

    return _disp(x, idx)


def _sc_gather(ys, idx):
    mesh = plsc.VectorSubcoreMesh(core_axis_name="c", subcore_axis_name="s")

    @pl.kernel(
        out_type=jax.ShapeDtypeStruct((NP, HID // 2), jnp.int32),
        mesh=mesh,
        scratch_types=[
            pltpu.VMEM((CH,), jnp.int32),
            pltpu.VMEM((CH, HID // 2), jnp.int32),
            pltpu.SemaphoreType.DMA,
        ],
    )
    def _gath(ys_hbm, idx_hbm, g_hbm, idx_v, rows_v, sem):
        cid = lax.axis_index("c")
        sid = lax.axis_index("s")
        wid = sid * 2 + cid
        base = wid * PW
        for chk in range(PW // CH):
            off = base + chk * CH
            pltpu.sync_copy(idx_hbm.at[pl.ds(off, CH)], idx_v)
            pltpu.async_copy(ys_hbm.at[idx_v], rows_v, sem).wait()
            pltpu.sync_copy(rows_v, g_hbm.at[pl.ds(off, CH)])

    return _gath(ys, idx)


def _group_body(be_ref, xs_ref, wg_ref, wu_ref, wd_ref, ys_ref,
                wg_stg, wu_stg, wd_stg, wgb_ref, wub_ref, wdb_ref, sem):
    i = pl.program_id(0)
    nb = be_ref[G]
    e = be_ref[i]
    prev_e = be_ref[jnp.maximum(i - 1, 0)]

    @pl.when(i == 0)
    def _prime():
        for slot in (0, 1):
            pltpu.make_async_copy(wg_ref.at[slot], wg_stg.at[slot],
                                  sem.at[slot]).start()
            pltpu.make_async_copy(wu_ref.at[slot], wu_stg.at[slot],
                                  sem.at[slot]).start()
            pltpu.make_async_copy(wd_ref.at[slot], wd_stg.at[slot],
                                  sem.at[slot]).start()

    @pl.when(((i == 0) | (e != prev_e)) & (i < nb))
    def _advance_expert():
        slot = e % 2
        pltpu.make_async_copy(wg_ref.at[e], wg_stg.at[slot],
                              sem.at[slot]).wait()
        pltpu.make_async_copy(wu_ref.at[e], wu_stg.at[slot],
                              sem.at[slot]).wait()
        pltpu.make_async_copy(wd_ref.at[e], wd_stg.at[slot],
                              sem.at[slot]).wait()
        wgb_ref[...] = wg_stg[slot].astype(jnp.bfloat16)
        wub_ref[...] = wu_stg[slot].astype(jnp.bfloat16)
        wdb_ref[...] = wd_stg[slot].astype(jnp.bfloat16)

        @pl.when(e + 2 < E)
        def _prefetch_next():
            pltpu.make_async_copy(wg_ref.at[e + 2], wg_stg.at[slot],
                                  sem.at[slot]).start()
            pltpu.make_async_copy(wu_ref.at[e + 2], wu_stg.at[slot],
                                  sem.at[slot]).start()
            pltpu.make_async_copy(wd_ref.at[e + 2], wd_stg.at[slot],
                                  sem.at[slot]).start()

    @pl.when(i < nb)
    def _compute():
        x = _unpack2(xs_ref[...])
        g = jnp.dot(x, wgb_ref[...], preferred_element_type=jnp.float32)
        u = jnp.dot(x, wub_ref[...], preferred_element_type=jnp.float32)
        h = (g * lax.logistic(g) * u).astype(jnp.bfloat16)
        y = jnp.dot(h, wdb_ref[...], preferred_element_type=jnp.float32)
        ys_ref[...] = _pack2(y.astype(jnp.bfloat16))


def _grouped(be, xs, w_gate, w_up, w_down):
    grid_spec = pltpu.PrefetchScalarGridSpec(
        num_scalar_prefetch=1,
        grid=(G,),
        in_specs=[
            pl.BlockSpec((BLK, HID // 2), lambda i, be: (i, 0)),
            pl.BlockSpec(memory_space=pltpu.MemorySpace.HBM),
            pl.BlockSpec(memory_space=pltpu.MemorySpace.HBM),
            pl.BlockSpec(memory_space=pltpu.MemorySpace.HBM),
        ],
        out_specs=pl.BlockSpec((BLK, HID // 2), lambda i, be: (i, 0)),
        scratch_shapes=[
            pltpu.VMEM((2, HID, FF), jnp.float32),
            pltpu.VMEM((2, HID, FF), jnp.float32),
            pltpu.VMEM((2, FF, HID), jnp.float32),
            pltpu.VMEM((HID, FF), jnp.bfloat16),
            pltpu.VMEM((HID, FF), jnp.bfloat16),
            pltpu.VMEM((FF, HID), jnp.bfloat16),
            pltpu.SemaphoreType.DMA((2,)),
        ],
    )
    return pl.pallas_call(
        _group_body,
        grid_spec=grid_spec,
        out_shape=jax.ShapeDtypeStruct((RS, HID // 2), jnp.int32),
        compiler_params=pltpu.CompilerParams(
            dimension_semantics=("arbitrary",)),
    )(be, xs, w_gate, w_up, w_down)


def _shared_body(x_ref, wg_ref, wu_ref, wd_ref, d_ref, o_ref):
    del d_ref
    x = x_ref[...].astype(jnp.bfloat16)
    g = jnp.dot(x, wg_ref[...].astype(jnp.bfloat16),
                preferred_element_type=jnp.float32)
    u = jnp.dot(x, wu_ref[...].astype(jnp.bfloat16),
                preferred_element_type=jnp.float32)
    h = (g * lax.logistic(g) * u).astype(jnp.bfloat16)
    o_ref[...] = jnp.dot(h, wd_ref[...].astype(jnp.bfloat16),
                         preferred_element_type=jnp.float32)


def _shared_part(x, sw_gate, sw_up, sw_down, dep, dep_spec, off, nb):
    rb = 256
    return pl.pallas_call(
        _shared_body,
        grid=(nb,),
        in_specs=[
            pl.BlockSpec((rb, HID), lambda i: (i + off, 0)),
            pl.BlockSpec((HID, SFF), lambda i: (0, 0)),
            pl.BlockSpec((HID, SFF), lambda i: (0, 0)),
            pl.BlockSpec((SFF, HID), lambda i: (0, 0)),
            dep_spec,
        ],
        out_specs=pl.BlockSpec((rb, HID), lambda i: (i, 0)),
        out_shape=jax.ShapeDtypeStruct((nb * rb, HID), jnp.float32),
        compiler_params=pltpu.CompilerParams(
            dimension_semantics=("arbitrary",)),
    )(x, sw_gate, sw_up, sw_down, dep)


def _combine_body(s_ref, g0_ref, g1_ref, w1_ref, w2_ref, o_ref):
    g0 = _unpack2(g0_ref[...]).astype(jnp.float32)
    g1 = _unpack2(g1_ref[...]).astype(jnp.float32)
    o_ref[...] = s_ref[...] + w1_ref[...] * g0 + w2_ref[...] * g1


def _combine(sh, garr, w1, w2):
    nb = 4
    rb = T // nb
    return pl.pallas_call(
        _combine_body,
        grid=(nb,),
        in_specs=[
            pl.BlockSpec((rb, HID), lambda i: (i, 0)),
            pl.BlockSpec((rb, HID // 2), lambda i: (i, 0)),
            pl.BlockSpec((rb, HID // 2), lambda i: (i + nb, 0)),
            pl.BlockSpec((rb, 1), lambda i: (i, 0)),
            pl.BlockSpec((rb, 1), lambda i: (i, 0)),
        ],
        out_specs=pl.BlockSpec((rb, HID), lambda i: (i, 0)),
        out_shape=jax.ShapeDtypeStruct((T, HID), jnp.float32),
        compiler_params=pltpu.CompilerParams(
            dimension_semantics=("arbitrary",)),
    )(sh, garr, garr, w1, w2)


def kernel(hidden_states, visual_token_mask, gate_w, e_score_bias,
           w_gate, w_up, w_down, sw_gate, sw_up, sw_down):
    del visual_token_mask
    x = hidden_states.reshape(T, HID)
    p1, p2, w1, w2, be, xb = _router(x, gate_w, e_score_bias.reshape(1, E))
    idx = jnp.concatenate([p1[:, 0], p2[:, 0]])
    xs = _sc_scatter(xb, idx)
    ys = _grouped(be[:, 0], xs, w_gate, w_up, w_down)
    garr = _sc_gather(ys, idx)
    sh = _shared_part(x, sw_gate, sw_up, sw_down, ys,
                      pl.BlockSpec((8, 128), lambda i: (0, 0)), 0, 8)
    out = _combine(sh, garr, w1, w2)
    return out.reshape(hidden_states.shape)

# --- scband reference (transcript-rebuilt; emitter-appended) ---
"""Pipeline reference for scband-ernie4-5-vlmoe-decoder-layer-39616778338727 (READ-ONLY COPY).

The authoritative reference and input builder live on the scoring server;
editing this copy changes nothing except your own understanding.
"""

import jax, jax.numpy as jnp
import numpy as np

T = 2048
HID = 1024
FF = 512
E = 8
K = 2
SHARED_FF = 1024  # moe_intermediate_size * moe_num_shared_experts


def setup_inputs(seed: int = 0) -> dict:
    key = jax.random.key(seed)
    ks = jax.random.split(key, 10)
    inp = {
        "hidden_states": jax.random.normal(ks[0], (T, HID), dtype=jnp.float32),
        "visual_token_mask": jnp.zeros((T, 1), dtype=bool),
        # text_experts_gate (ReplicatedLinear, fp32, no bias)
        "gate_w": jax.random.normal(ks[1], (HID, E), dtype=jnp.float32) * 0.02,
        # e_score_correction_bias (text slice, fp32)
        "e_score_bias": jax.random.normal(ks[2], (E,), dtype=jnp.float32) * 0.01,
        # routed expert SwiGLU weights
        "w_gate": jax.random.normal(ks[3], (E, HID, FF), dtype=jnp.float32) * 0.02,
        "w_up": jax.random.normal(ks[4], (E, HID, FF), dtype=jnp.float32) * 0.02,
        "w_down": jax.random.normal(ks[5], (E, FF, HID), dtype=jnp.float32) * 0.02,
        # shared experts SwiGLU weights
        "sw_gate": jax.random.normal(ks[6], (HID, SHARED_FF), dtype=jnp.float32) * 0.02,
        "sw_up": jax.random.normal(ks[7], (HID, SHARED_FF), dtype=jnp.float32) * 0.02,
        "sw_down": jax.random.normal(ks[8], (SHARED_FF, HID), dtype=jnp.float32) * 0.02,
    }
    return inp


def _swiglu(x, wg, wu, wd):
    return (jax.nn.silu(x @ wg) * (x @ wu)) @ wd


def reference(hidden_states, visual_token_mask, gate_w, e_score_bias,
              w_gate, w_up, w_down, sw_gate, sw_up, sw_down):
    # visual_token_mask is all False -> text-expert MoE path
    x = hidden_states.reshape(-1, hidden_states.shape[-1])
    # router gate in fp32
    router_logits = x.astype(jnp.float32) @ gate_w
    scores = jax.nn.softmax(router_logits, axis=-1)
    # e_score_correction_bias only affects expert choice, not combine weights
    scores_for_choice = scores + e_score_bias[None, :]
    _, topk_idx = jax.lax.top_k(scores_for_choice, K)
    topk_w = jnp.take_along_axis(scores, topk_idx, axis=-1)
    # renormalize=True
    topk_w = topk_w / jnp.sum(topk_w, axis=-1, keepdims=True)
    routed = jnp.zeros_like(x)
    for e in range(E):
        gate_e = jnp.sum(jnp.where(topk_idx == e, topk_w, 0.0), axis=-1)
        expert_out = _swiglu(x, w_gate[e], w_up[e], w_down[e])
        routed = routed + gate_e[:, None].astype(x.dtype) * expert_out
    shared = _swiglu(x, sw_gate, sw_up, sw_down)
    out = shared + routed
    return out.reshape(hidden_states.shape)

if __name__ == "__main__":
    import jax
    _d = setup_inputs()
    print(jax.jit(kernel)(*tuple(_d.values())))

</pallas_src>

<mosaic_0001>
#map = affine_map<(d0, d1) -> (0, 0)>
#map1 = affine_map<(d0, d1) -> (0)>
module attributes {stable_mosaic.version = 14 : i64} {
  func.func @_disp(%arg0: i32, %arg1: i32, %arg2: memref<2048x512xi32, #tpu.memory_space<hbm>>, %arg3: memref<4096xi32, #tpu.memory_space<hbm>>, %arg4: memref<6144x512xi32, #tpu.memory_space<hbm>>, %arg5: memref<128xi32, #tpu.memory_space<vmem>>, %arg6: memref<128x512xi32, #tpu.memory_space<vmem>>, %arg7: memref<!tpu.dma_semaphore, #tpu.memory_space<semaphore_mem>>) attributes {dimension_semantics = [#tpu.dimension_semantics<core_parallel>, #tpu.dimension_semantics<subcore_parallel>], iteration_bounds = array<i64: 2, 16>, scalar_prefetch = 0 : i64, scratch_operands = 3 : i64, tpu.core_type = #tpu.core_type<sc_vector_subcore>, window_params = [{transform_indices = #map}, {transform_indices = #map1}, {transform_indices = #map}]} {
    %mul3A = arith.constant 2 : i32
    %mul3A_0 = arith.muli %arg1, %mul3A : i32
    %add3A = arith.addi %mul3A_0, %arg0 : i32
    %mul3A_1 = arith.constant 128 : i32
    %mul3A_2 = arith.muli %add3A, %mul3A_1 : i32
    %add3A_3 = arith.constant 0 : i32
    %add3A_4 = arith.addi %mul3A_2, %add3A_3 : i32
    "tpu.region"() ({
      %run_scoped3A = tpu.sem_alloc : memref<!tpu.dma_semaphore, #tpu.memory_space<semaphore_mem>>
      %dma_start3A_10 = tpu.memref_slice %arg3[%add3A_4] : memref<4096xi32, #tpu.memory_space<hbm>> -> memref<128xi32, #tpu.memory_space<hbm>>
      %dma_start3A_11 = tpu.memref_slice %arg3[%add3A_4] : memref<4096xi32, #tpu.memory_space<hbm>> -> memref<128xi32, #tpu.memory_space<hbm>>
      tpu.enqueue_dma source(%dma_start3A_11 : memref<128xi32, #tpu.memory_space<hbm>>) target(%arg5 : memref<128xi32, #tpu.memory_space<vmem>>) target_semaphore(%run_scoped3A : memref<!tpu.dma_semaphore, #tpu.memory_space<semaphore_mem>>)
      %dma_wait3A_12 = tpu.memref_slice %arg3[%add3A_4] : memref<4096xi32, #tpu.memory_space<hbm>> -> memref<128xi32, #tpu.memory_space<hbm>>
      %dma_wait3A_13 = tpu.memref_slice %arg3[%add3A_4] : memref<4096xi32, #tpu.memory_space<hbm>> -> memref<128xi32, #tpu.memory_space<hbm>>
      tpu.wait_dma2 semaphore(%run_scoped3A : memref<!tpu.dma_semaphore, #tpu.memory_space<semaphore_mem>>) src(%dma_wait3A_13 : memref<128xi32, #tpu.memory_space<hbm>>) dst(%arg5 : memref<128xi32, #tpu.memory_space<vmem>>)
      tpu.yield
    }) : () -> ()
    %rem3A = arith.constant 2048 : i32
    %rem3A_5 = arith.remsi %add3A_4, %rem3A : i32
    "tpu.region"() ({
      %run_scoped3A = tpu.sem_alloc : memref<!tpu.dma_semaphore, #tpu.memory_space<semaphore_mem>>
      %dma_start3A_10 = arith.constant 0 : i32
      %dma_start3A_11 = tpu.memref_slice %arg2[%rem3A_5, %dma_start3A_10] : memref<2048x512xi32, #tpu.memory_space<hbm>> -> memref<128x512xi32, #tpu.memory_space<hbm>>
      %dma_start3A_12 = arith.constant 0 : i32
      %dma_start3A_13 = tpu.memref_slice %arg2[%rem3A_5, %dma_start3A_12] : memref<2048x512xi32, #tpu.memory_space<hbm>> -> memref<128x512xi32, #tpu.memory_space<hbm>>
      tpu.enqueue_dma source(%dma_start3A_13 : memref<128x512xi32, #tpu.memory_space<hbm>>) target(%arg6 : memref<128x512xi32, #tpu.memory_space<vmem>>) target_semaphore(%run_scoped3A : memref<!tpu.dma_semaphore, #tpu.memory_space<semaphore_mem>>)
      %dma_wait3A_14 = arith.constant 0 : i32
      %dma_wait3A_15 = tpu.memref_slice %arg2[%rem3A_5, %dma_wait3A_14] : memref<2048x512xi32, #tpu.memory_space<hbm>> -> memref<128x512xi32, #tpu.memory_space<hbm>>
      %dma_wait3A_16 = arith.constant 0 : i32
      %dma_wait3A_17 = tpu.memref_slice %arg2[%rem3A_5, %dma_wait3A_16] : memref<2048x512xi32, #tpu.memory_space<hbm>> -> memref<128x512xi32, #tpu.memory_space<hbm>>
      tpu.wait_dma2 semaphore(%run_scoped3A : memref<!tpu.dma_semaphore, #tpu.memory_space<semaphore_mem>>) src(%dma_wait3A_17 : memref<128x512xi32, #tpu.memory_space<hbm>>) dst(%arg6 : memref<128x512xi32, #tpu.memory_space<vmem>>)
      tpu.yield
    }) : () -> ()
    %dma_start3A = arith.constant 0 : i32
    %dma_start3A_6 = arith.constant 0 : i32
    %dma_start3A_7 = tpu.memref_slice %arg4[%dma_start3A, %dma_start3A_6] : memref<6144x512xi32, #tpu.memory_space<hbm>> -> memref<6144x512xi32, #tpu.memory_space<hbm>>
    tpu.enqueue_indirect_dma source(%arg6 : memref<128x512xi32, #tpu.memory_space<vmem>>) target(%dma_start3A_7 : memref<6144x512xi32, #tpu.memory_space<hbm>>) offsets(%arg5 : memref<128xi32, #tpu.memory_space<vmem>>) semaphore(%arg7 : memref<!tpu.dma_semaphore, #tpu.memory_space<semaphore_mem>>)
    %dma_wait3A = arith.constant 0 : i32
    %dma_wait3A_8 = arith.constant 0 : i32
    %dma_wait3A_9 = tpu.memref_slice %arg4[%dma_wait3A, %dma_wait3A_8] : memref<6144x512xi32, #tpu.memory_space<hbm>> -> memref<6144x512xi32, #tpu.memory_space<hbm>>
    tpu.wait_indirect_dma semaphore(%arg7 : memref<!tpu.dma_semaphore, #tpu.memory_space<semaphore_mem>>) src(%arg6 : memref<128x512xi32, #tpu.memory_space<vmem>>) dst(%dma_wait3A_9 : memref<6144x512xi32, #tpu.memory_space<hbm>>)
    return
  }
}

#map = affine_map<(d0, d1) -> (0, 0)>
#map1 = affine_map<(d0, d1) -> (0)>
module attributes {stable_mosaic.version = 14 : i64} {
  func.func @_gath(%arg0: i32, %arg1: i32, %arg2: memref<6144x512xi32, #tpu.memory_space<hbm>>, %arg3: memref<4096xi32, #tpu.memory_space<hbm>>, %arg4: memref<4096x512xi32, #tpu.memory_space<hbm>>, %arg5: memref<128xi32, #tpu.memory_space<vmem>>, %arg6: memref<128x512xi32, #tpu.memory_space<vmem>>, %arg7: memref<!tpu.dma_semaphore, #tpu.memory_space<semaphore_mem>>) attributes {dimension_semantics = [#tpu.dimension_semantics<core_parallel>, #tpu.dimension_semantics<subcore_parallel>], iteration_bounds = array<i64: 2, 16>, scalar_prefetch = 0 : i64, scratch_operands = 3 : i64, tpu.core_type = #tpu.core_type<sc_vector_subcore>, window_params = [{transform_indices = #map}, {transform_indices = #map1}, {transform_indices = #map}]} {
    %mul3A = arith.constant 2 : i32
    %mul3A_0 = arith.muli %arg1, %mul3A : i32
    %add3A = arith.addi %mul3A_0, %arg0 : i32
    %mul3A_1 = arith.constant 128 : i32
    %mul3A_2 = arith.muli %add3A, %mul3A_1 : i32
    %add3A_3 = arith.constant 0 : i32
    %add3A_4 = arith.addi %mul3A_2, %add3A_3 : i32
    "tpu.region"() ({
      %run_scoped3A = tpu.sem_alloc : memref<!tpu.dma_semaphore, #tpu.memory_space<semaphore_mem>>
      %dma_start3A_9 = tpu.memref_slice %arg3[%add3A_4] : memref<4096xi32, #tpu.memory_space<hbm>> -> memref<128xi32, #tpu.memory_space<hbm>>
      %dma_start3A_10 = tpu.memref_slice %arg3[%add3A_4] : memref<4096xi32, #tpu.memory_space<hbm>> -> memref<128xi32, #tpu.memory_space<hbm>>
      tpu.enqueue_dma source(%dma_start3A_10 : memref<128xi32, #tpu.memory_space<hbm>>) target(%arg5 : memref<128xi32, #tpu.memory_space<vmem>>) target_semaphore(%run_scoped3A : memref<!tpu.dma_semaphore, #tpu.memory_space<semaphore_mem>>)
      %dma_wait3A_11 = tpu.memref_slice %arg3[%add3A_4] : memref<4096xi32, #tpu.memory_space<hbm>> -> memref<128xi32, #tpu.memory_space<hbm>>
      %dma_wait3A_12 = tpu.memref_slice %arg3[%add3A_4] : memref<4096xi32, #tpu.memory_space<hbm>> -> memref<128xi32, #tpu.memory_space<hbm>>
      tpu.wait_dma2 semaphore(%run_scoped3A : memref<!tpu.dma_semaphore, #tpu.memory_space<semaphore_mem>>) src(%dma_wait3A_12 : memref<128xi32, #tpu.memory_space<hbm>>) dst(%arg5 : memref<128xi32, #tpu.memory_space<vmem>>)
      tpu.yield
    }) : () -> ()
    %dma_start3A = arith.constant 0 : i32
    %dma_start3A_5 = arith.constant 0 : i32
    %dma_start3A_6 = tpu.memref_slice %arg2[%dma_start3A, %dma_start3A_5] : memref<6144x512xi32, #tpu.memory_space<hbm>> -> memref<6144x512xi32, #tpu.memory_space<hbm>>
    tpu.enqueue_indirect_dma source(%dma_start3A_6 : memref<6144x512xi32, #tpu.memory_space<hbm>>) target(%arg6 : memref<128x512xi32, #tpu.memory_space<vmem>>) offsets(%arg5 : memref<128xi32, #tpu.memory_space<vmem>>) semaphore(%arg7 : memref<!tpu.dma_semaphore, #tpu.memory_space<semaphore_mem>>)
    %dma_wait3A = arith.constant 0 : i32
    %dma_wait3A_7 = arith.constant 0 : i32
    %dma_wait3A_8 = tpu.memref_slice %arg2[%dma_wait3A, %dma_wait3A_7] : memref<6144x512xi32, #tpu.memory_space<hbm>> -> memref<6144x512xi32, #tpu.memory_space<hbm>>
    tpu.wait_indirect_dma semaphore(%arg7 : memref<!tpu.dma_semaphore, #tpu.memory_space<semaphore_mem>>) src(%dma_wait3A_8 : memref<6144x512xi32, #tpu.memory_space<hbm>>) dst(%arg6 : memref<128x512xi32, #tpu.memory_space<vmem>>)
    "tpu.region"() ({
      %run_scoped3A = tpu.sem_alloc : memref<!tpu.dma_semaphore, #tpu.memory_space<semaphore_mem>>
      %dma_start3A_9 = arith.constant 0 : i32
      %dma_start3A_10 = tpu.memref_slice %arg4[%add3A_4, %dma_start3A_9] : memref<4096x512xi32, #tpu.memory_space<hbm>> -> memref<128x512xi32, #tpu.memory_space<hbm>>
      %dma_start3A_11 = arith.constant 0 : i32
      %dma_start3A_12 = tpu.memref_slice %arg4[%add3A_4, %dma_start3A_11] : memref<4096x512xi32, #tpu.memory_space<hbm>> -> memref<128x512xi32, #tpu.memory_space<hbm>>
      tpu.enqueue_dma source(%arg6 : memref<128x512xi32, #tpu.memory_space<vmem>>) target(%dma_start3A_12 : memref<128x512xi32, #tpu.memory_space<hbm>>) target_semaphore(%run_scoped3A : memref<!tpu.dma_semaphore, #tpu.memory_space<semaphore_mem>>)
      %dma_wait3A_13 = arith.constant 0 : i32
      %dma_wait3A_14 = tpu.memref_slice %arg4[%add3A_4, %dma_wait3A_13] : memref<4096x512xi32, #tpu.memory_space<hbm>> -> memref<128x512xi32, #tpu.memory_space<hbm>>
      %dma_wait3A_15 = arith.constant 0 : i32
      %dma_wait3A_16 = tpu.memref_slice %arg4[%add3A_4, %dma_wait3A_15] : memref<4096x512xi32, #tpu.memory_space<hbm>> -> memref<128x512xi32, #tpu.memory_space<hbm>>
      tpu.wait_dma2 semaphore(%run_scoped3A : memref<!tpu.dma_semaphore, #tpu.memory_space<semaphore_mem>>) src(%arg6 : memref<128x512xi32, #tpu.memory_space<vmem>>) dst(%dma_wait3A_16 : memref<128x512xi32, #tpu.memory_space<hbm>>)
      tpu.yield
    }) : () -> ()
    return
  }
}

module attributes {stable_mosaic.version = 14 : i64} {
  func.func @_router_body(%arg0: memref<2048x1024xf32, #tpu.memory_space<vmem>>, %arg1: memref<1024x8xf32, #tpu.memory_space<vmem>>, %arg2: memref<1x8xf32, #tpu.memory_space<vmem>>, %arg3: memref<2048x1xi32, #tpu.memory_space<vmem>>, %arg4: memref<2048x1xi32, #tpu.memory_space<vmem>>, %arg5: memref<2048x1xf32, #tpu.memory_space<vmem>>, %arg6: memref<2048x1xf32, #tpu.memory_space<vmem>>, %arg7: memref<25x1xi32, #tpu.memory_space<vmem>>, %arg8: memref<2048x512xi32, #tpu.memory_space<vmem>>) attributes {dimension_semantics = [], scalar_prefetch = 0 : i64, scratch_operands = 0 : i64, tpu.core_type = #tpu.core_type<tc>} {
    %get3A = arith.constant 0 : index
    %get3A_0 = arith.constant 0 : index
    %get3A_1 = vector.load %arg0[%get3A, %get3A_0] : memref<2048x1024xf32, #tpu.memory_space<vmem>>, vector<2048x1024xf32>
    %convert_element_type3A = arith.truncf %get3A_1 : vector<2048x1024xf32> to vector<2048x1024xbf16>
    %slice3A = vector.extract_strided_slice %convert_element_type3A {offsets = [0, 0], sizes = [2048, 512], strides = [1, 1]} : vector<2048x1024xbf16> to vector<2048x512xbf16>
    %bitcast3A = tpu.bitcast %slice3A : vector<2048x512xbf16> -> vector<2048x512xi16>
    %convert_element_type3A_2 = arith.extsi %bitcast3A : vector<2048x512xi16> to vector<2048x512xi32>
    %and3A = arith.constant 65535 : i32
    %and3A_3 = vector.broadcast %and3A : i32 to vector<2048x512xi32>
    %and3A_4 = arith.andi %convert_element_type3A_2, %and3A_3 : vector<2048x512xi32>
    %slice3A_5 = vector.extract_strided_slice %convert_element_type3A {offsets = [0, 512], sizes = [2048, 512], strides = [1, 1]} : vector<2048x1024xbf16> to vector<2048x512xbf16>
    %bitcast3A_6 = tpu.bitcast %slice3A_5 : vector<2048x512xbf16> -> vector<2048x512xi16>
    %convert_element_type3A_7 = arith.extsi %bitcast3A_6 : vector<2048x512xi16> to vector<2048x512xi32>
    %and3A_8 = arith.constant 65535 : i32
    %and3A_9 = vector.broadcast %and3A_8 : i32 to vector<2048x512xi32>
    %and3A_10 = arith.andi %convert_element_type3A_7, %and3A_9 : vector<2048x512xi32>
    %shift_left3A = arith.constant 16 : i32
    %shift_left3A_11 = vector.broadcast %shift_left3A : i32 to vector<2048x512xi32>
    %shift_left3A_12 = arith.shli %and3A_10, %shift_left3A_11 : vector<2048x512xi32>
    %or3A = arith.ori %and3A_4, %shift_left3A_12 : vector<2048x512xi32>
    %swap3A = arith.constant 0 : index
    %swap3A_13 = arith.constant 0 : index
    %swap3A_14 = vector.load %arg8[%swap3A, %swap3A_13] : memref<2048x512xi32, #tpu.memory_space<vmem>>, vector<2048x512xi32>
    tpu.vector_store %arg8[%swap3A, %swap3A_13], %or3A {strides = array<i32>} : memref<2048x512xi32, #tpu.memory_space<vmem>>, vector<2048x512xi32>,
    %get3A_15 = arith.constant 0 : index
    %get3A_16 = arith.constant 0 : index
    %get3A_17 = vector.load %arg1[%get3A_15, %get3A_16] : memref<1024x8xf32, #tpu.memory_space<vmem>>, vector<1024x8xf32>
    %dot_general3A = arith.constant dense<0.000000e+00> : vector<2048x8xf32>
    %dot_general3A_18 = tpu.matmul %get3A_1, %get3A_17, %dot_general3A {dimension_numbers = #tpu.dot_dimension_numbers<[1], [0], [0], [1], [0, 0, 1, 1], [], []>, transpose_lhs_hint = false} : vector<2048x1024xf32>, vector<1024x8xf32>, vector<2048x8xf32> -> vector<2048x8xf32>
    %reduce_max3A = arith.constant dense<0xFF800000> : vector<2048xf32>
    %reduce_max3A_19 = vector.multi_reduction <maximumf>, %dot_general3A_18, %reduce_max3A [1] : vector<2048x8xf32> to vector<2048xf32>
    %broadcast_in_dim3A = vector.shape_cast %reduce_max3A_19 : vector<2048xf32> to vector<2048x1xf32>
    %sub3A = vector.broadcast %broadcast_in_dim3A : vector<2048x1xf32> to vector<2048x8xf32>
    %sub3A_20 = arith.subf %dot_general3A_18, %sub3A : vector<2048x8xf32>
    %exp3A = math.exp %sub3A_20 : vector<2048x8xf32>
    %reduce_sum3A = arith.constant dense<0.000000e+00> : vector<2048xf32>
    %reduce_sum3A_21 = vector.multi_reduction <add>, %exp3A, %reduce_sum3A [1] : vector<2048x8xf32> to vector<2048xf32>
    %broadcast_in_dim3A_22 = vector.shape_cast %reduce_sum3A_21 : vector<2048xf32> to vector<2048x1xf32>
    %div3A = vector.broadcast %broadcast_in_dim3A_22 : vector<2048x1xf32> to vector<2048x8xf32>
    %div3A_23 = arith.divf %exp3A, %div3A : vector<2048x8xf32>
    %get3A_24 = arith.constant 0 : index
    %get3A_25 = arith.constant 0 : index
    %get3A_26 = vector.load %arg2[%get3A_24, %get3A_25] : memref<1x8xf32, #tpu.memory_space<vmem>>, vector<1x8xf32>
    %add3A = vector.broadcast %get3A_26 : vector<1x8xf32> to vector<2048x8xf32>
    %add3A_27 = arith.addf %div3A_23, %add3A : vector<2048x8xf32>
    %iota3A = tpu.iota {dimensions = array<i32: 1>} : vector<2048x8xi32>
    %reduce_max3A_28 = arith.constant dense<0xFF800000> : vector<2048xf32>
    %reduce_max3A_29 = vector.multi_reduction <maximumf>, %add3A_27, %reduce_max3A_28 [1] : vector<2048x8xf32> to vector<2048xf32>
    %broadcast_in_dim3A_30 = vector.shape_cast %reduce_max3A_29 : vector<2048xf32> to vector<2048x1xf32>
    %eq3A = vector.broadcast %broadcast_in_dim3A_30 : vector<2048x1xf32> to vector<2048x8xf32>
    %eq3A_31 = arith.cmpf oeq, %add3A_27, %eq3A : vector<2048x8xf32>
    %jit3A = arith.constant 8 : i32
    %broadcast_in_dim3A_32 = vector.broadcast %jit3A : i32 to vector<2048x8xi32>
    %select_n3A = arith.select %eq3A_31, %iota3A, %broadcast_in_dim3A_32 : vector<2048x8xi1>, vector<2048x8xi32>
    %reduce_min3A = arith.constant dense<2147483647> : vector<2048xi32>
    %reduce_min3A_33 = vector.multi_reduction <minsi>, %select_n3A, %reduce_min3A [1] : vector<2048x8xi32> to vector<2048xi32>
    %broadcast_in_dim3A_34 = vector.shape_cast %reduce_min3A_33 : vector<2048xi32> to vector<2048x1xi32>
    %eq3A_35 = vector.broadcast %broadcast_in_dim3A_34 : vector<2048x1xi32> to vector<2048x8xi32>
    %eq3A_36 = arith.cmpi eq, %iota3A, %eq3A_35 : vector<2048x8xi32>
    %jit3A_37 = arith.constant 0xFF800000 : f32
    %broadcast_in_dim3A_38 = vector.broadcast %jit3A_37 : f32 to vector<2048x8xf32>
    %select_n3A_39 = arith.select %eq3A_36, %broadcast_in_dim3A_38, %add3A_27 : vector<2048x8xi1>, vector<2048x8xf32>
    %reduce_max3A_40 = arith.constant dense<0xFF800000> : vector<2048xf32>
    %reduce_max3A_41 = vector.multi_reduction <maximumf>, %select_n3A_39, %reduce_max3A_40 [1] : vector<2048x8xf32> to vector<2048xf32>
    %broadcast_in_dim3A_42 = vector.shape_cast %reduce_max3A_41 : vector<2048xf32> to vector<2048x1xf32>
    %eq3A_43 = vector.broadcast %broadcast_in_dim3A_42 : vector<2048x1xf32> to vector<2048x8xf32>
    %eq3A_44 = arith.cmpf oeq, %select_n3A_39, %eq3A_43 : vector<2048x8xf32>
    %jit3A_45 = arith.constant 8 : i32
    %broadcast_in_dim3A_46 = vector.broadcast %jit3A_45 : i32 to vector<2048x8xi32>
    %select_n3A_47 = arith.select %eq3A_44, %iota3A, %broadcast_in_dim3A_46 : vector<2048x8xi1>, vector<2048x8xi32>
    %reduce_min3A_48 = arith.constant dense<2147483647> : vector<2048xi32>
    %reduce_min3A_49 = vector.multi_reduction <minsi>, %select_n3A_47, %reduce_min3A_48 [1] : vector<2048x8xi32> to vector<2048xi32>
    %broadcast_in_dim3A_50 = vector.shape_cast %reduce_min3A_49 : vector<2048xi32> to vector<2048x1xi32>
    %eq3A_51 = vector.broadcast %broadcast_in_dim3A_34 : vector<2048x1xi32> to vector<2048x8xi32>
    %eq3A_52 = arith.cmpi eq, %iota3A, %eq3A_51 : vector<2048x8xi32>
    %jit3A_53 = arith.constant 0.000000e+00 : f32
    %broadcast_in_dim3A_54 = vector.broadcast %jit3A_53 : f32 to vector<2048x8xf32>
    %select_n3A_55 = arith.select %eq3A_52, %div3A_23, %broadcast_in_dim3A_54 : vector<2048x8xi1>, vector<2048x8xf32>
    %reduce_sum3A_56 = arith.constant dense<0.000000e+00> : vector<2048xf32>
    %reduce_sum3A_57 = vector.multi_reduction <add>, %select_n3A_55, %reduce_sum3A_56 [1] : vector<2048x8xf32> to vector<2048xf32>
    %broadcast_in_dim3A_58 = vector.shape_cast %reduce_sum3A_57 : vector<2048xf32> to vector<2048x1xf32>
    %eq3A_59 = vector.broadcast %broadcast_in_dim3A_50 : vector<2048x1xi32> to vector<2048x8xi32>
    %eq3A_60 = arith.cmpi eq, %iota3A, %eq3A_59 : vector<2048x8xi32>
    %jit3A_61 = arith.constant 0.000000e+00 : f32
    %broadcast_in_dim3A_62 = vector.broadcast %jit3A_61 : f32 to vector<2048x8xf32>
    %select_n3A_63 = arith.select %eq3A_60, %div3A_23, %broadcast_in_dim3A_62 : vector<2048x8xi1>, vector<2048x8xf32>
    %reduce_sum3A_64 = arith.constant dense<0.000000e+00> : vector<2048xf32>
    %reduce_sum3A_65 = vector.multi_reduction <add>, %select_n3A_63, %reduce_sum3A_64 [1] : vector<2048x8xf32> to vector<2048xf32>
    %broadcast_in_dim3A_66 = vector.shape_cast %reduce_sum3A_65 : vector<2048xf32> to vector<2048x1xf32>
    %add3A_67 = arith.addf %broadcast_in_dim3A_58, %broadcast_in_dim3A_66 : vector<2048x1xf32>
    %div3A_68 = arith.divf %broadcast_in_dim3A_58, %add3A_67 : vector<2048x1xf32>
    %swap3A_69 = arith.constant 0 : index
    %swap3A_70 = arith.constant 0 : index
    %swap3A_71 = vector.load %arg5[%swap3A_69, %swap3A_70] : memref<2048x1xf32, #tpu.memory_space<vmem>>, vector<2048x1xf32>
    tpu.vector_store %arg5[%swap3A_69, %swap3A_70], %div3A_68 {strides = array<i32>} : memref<2048x1xf32, #tpu.memory_space<vmem>>, vector<2048x1xf32>,
    %div3A_72 = arith.divf %broadcast_in_dim3A_66, %add3A_67 : vector<2048x1xf32>
    %swap3A_73 = arith.constant 0 : index
    %swap3A_74 = arith.constant 0 : index
    %swap3A_75 = vector.load %arg6[%swap3A_73, %swap3A_74] : memref<2048x1xf32, #tpu.memory_space<vmem>>, vector<2048x1xf32>
    tpu.vector_store %arg6[%swap3A_73, %swap3A_74], %div3A_72 {strides = array<i32>} : memref<2048x1xf32, #tpu.memory_space<vmem>>, vector<2048x1xf32>,
    %eq3A_76 = vector.broadcast %broadcast_in_dim3A_34 : vector<2048x1xi32> to vector<2048x8xi32>
    %eq3A_77 = arith.cmpi eq, %iota3A, %eq3A_76 : vector<2048x8xi32>
    %convert_element_type3A_78 = arith.extui %eq3A_77 : vector<2048x8xi1> to vector<2048x8xi32>
    %convert_element_type3A_79 = arith.sitofp %convert_element_type3A_78 : vector<2048x8xi32> to vector<2048x8xf32>
    %convert_element_type3A_80 = arith.truncf %convert_element_type3A_79 : vector<2048x8xf32> to vector<2048x8xbf16>
    %eq3A_81 = vector.broadcast %broadcast_in_dim3A_50 : vector<2048x1xi32> to vector<2048x8xi32>
    %eq3A_82 = arith.cmpi eq, %iota3A, %eq3A_81 : vector<2048x8xi32>
    %convert_element_type3A_83 = arith.extui %eq3A_82 : vector<2048x8xi1> to vector<2048x8xi32>
    %convert_element_type3A_84 = arith.sitofp %convert_element_type3A_83 : vector<2048x8xi32> to vector<2048x8xf32>
    %convert_element_type3A_85 = arith.truncf %convert_element_type3A_84 : vector<2048x8xf32> to vector<2048x8xbf16>
    %concatenate3A = tpu.concatenate %convert_element_type3A_80, %convert_element_type3A_85 in 1 : vector<2048x8xbf16>, vector<2048x8xbf16> -> vector<2048x16xbf16>
    %iota3A_86 = tpu.iota {dimensions = array<i32: 0>} : vector<128x128xi32>
    %iota3A_87 = tpu.iota {dimensions = array<i32: 1>} : vector<128x128xi32>
    %lt3A = arith.cmpi slt, %iota3A_87, %iota3A_86 : vector<128x128xi32>
    %convert_element_type3A_88 = arith.extui %lt3A : vector<128x128xi1> to vector<128x128xi32>
    %convert_element_type3A_89 = arith.sitofp %convert_element_type3A_88 : vector<128x128xi32> to vector<128x128xf32>
    %convert_element_type3A_90 = arith.truncf %convert_element_type3A_89 : vector<128x128xf32> to vector<128x128xbf16>
    %slice3A_91 = vector.extract_strided_slice %concatenate3A {offsets = [0, 0], sizes = [128, 16], strides = [1, 1]} : vector<2048x16xbf16> to vector<128x16xbf16>
    %dot_general3A_92 = arith.constant dense<0.000000e+00> : vector<128x16xf32>
    %dot_general3A_93 = tpu.matmul %convert_element_type3A_90, %slice3A_91, %dot_general3A_92 {dimension_numbers = #tpu.dot_dimension_numbers<[1], [0], [0], [1], [0, 0, 1, 1], [], []>, transpose_lhs_hint = false} : vector<128x128xbf16>, vector<128x16xbf16>, vector<128x16xf32> -> vector<128x16xf32>
    %slice3A_94 = vector.extract_strided_slice %dot_general3A_93 {offsets = [127, 0], sizes = [1, 16], strides = [1, 1]} : vector<128x16xf32> to vector<1x16xf32>
    %slice3A_95 = vector.extract_strided_slice %slice3A_91 {offsets = [127, 0], sizes = [1, 16], strides = [1, 1]} : vector<128x16xbf16> to vector<1x16xbf16>
    %convert_element_type3A_96 = arith.extf %slice3A_95 : vector<1x16xbf16> to vector<1x16xf32>
    %add3A_97 = arith.addf %slice3A_94, %convert_element_type3A_96 : vector<1x16xf32>
    %slice3A_98 = vector.extract_strided_slice %concatenate3A {offsets = [128, 0], sizes = [128, 16], strides = [1, 1]} : vector<2048x16xbf16> to vector<128x16xbf16>
    %dot_general3A_99 = arith.constant dense<0.000000e+00> : vector<128x16xf32>
    %dot_general3A_100 = tpu.matmul %convert_element_type3A_90, %slice3A_98, %dot_general3A_99 {dimension_numbers = #tpu.dot_dimension_numbers<[1], [0], [0], [1], [0, 0, 1, 1], [], []>, transpose_lhs_hint = false} : vector<128x128xbf16>, vector<128x16xbf16>, vector<128x16xf32> -> vector<128x16xf32>
    %slice3A_101 = vector.extract_strided_slice %dot_general3A_100 {offsets = [127, 0], sizes = [1, 16], strides = [1, 1]} : vector<128x16xf32> to vector<1x16xf32>
    %slice3A_102 = vector.extract_strided_slice %slice3A_98 {offsets = [127, 0], sizes = [1, 16], strides = [1, 1]} : vector<128x16xbf16> to vector<1x16xbf16>
    %convert_element_type3A_103 = arith.extf %slice3A_102 : vector<1x16xbf16> to vector<1x16xf32>
    %add3A_104 = arith.addf %slice3A_101, %convert_element_type3A_103 : vector<1x16xf32>
    %slice3A_105 = vector.extract_strided_slice %concatenate3A {offsets = [256, 0], sizes = [128, 16], strides = [1, 1]} : vector<2048x16xbf16> to vector<128x16xbf16>
    %dot_general3A_106 = arith.constant dense<0.000000e+00> : vector<128x16xf32>
    %dot_general3A_107 = tpu.matmul %convert_element_type3A_90, %slice3A_105, %dot_general3A_106 {dimension_numbers = #tpu.dot_dimension_numbers<[1], [0], [0], [1], [0, 0, 1, 1], [], []>, transpose_lhs_hint = false} : vector<128x128xbf16>, vector<128x16xbf16>, vector<128x16xf32> -> vector<128x16xf32>
    %slice3A_108 = vector.extract_strided_slice %dot_general3A_107 {offsets = [127, 0], sizes = [1, 16], strides = [1, 1]} : vector<128x16xf32> to vector<1x16xf32>
    %slice3A_109 = vector.extract_strided_slice %slice3A_105 {offsets = [127, 0], sizes = [1, 16], strides = [1, 1]} : vector<128x16xbf16> to vector<1x16xbf16>
    %convert_element_type3A_110 = arith.extf %slice3A_109 : vector<1x16xbf16> to vector<1x16xf32>
    %add3A_111 = arith.addf %slice3A_108, %convert_element_type3A_110 : vector<1x16xf32>
    %slice3A_112 = vector.extract_strided_slice %concatenate3A {offsets = [384, 0], sizes = [128, 16], strides = [1, 1]} : vector<2048x16xbf16> to vector<128x16xbf16>
    %dot_general3A_113 = arith.constant dense<0.000000e+00> : vector<128x16xf32>
    %dot_general3A_114 = tpu.matmul %convert_element_type3A_90, %slice3A_112, %dot_general3A_113 {dimension_numbers = #tpu.dot_dimension_numbers<[1], [0], [0], [1], [0, 0, 1, 1], [], []>, transpose_lhs_hint = false} : vector<128x128xbf16>, vector<128x16xbf16>, vector<128x16xf32> -> vector<128x16xf32>
    %slice3A_115 = vector.extract_strided_slice %dot_general3A_114 {offsets = [127, 0], sizes = [1, 16], strides = [1, 1]} : vector<128x16xf32> to vector<1x16xf32>
    %slice3A_116 = vector.extract_strided_slice %slice3A_112 {offsets = [127, 0], sizes = [1, 16], strides = [1, 1]} : vector<128x16xbf16> to vector<1x16xbf16>
    %convert_element_type3A_117 = arith.extf %slice3A_116 : vector<1x16xbf16> to vector<1x16xf32>
    %add3A_118 = arith.addf %slice3A_115, %convert_element_type3A_117 : vector<1x16xf32>
    %slice3A_119 = vector.extract_strided_slice %concatenate3A {offsets = [512, 0], sizes = [128, 16], strides = [1, 1]} : vector<2048x16xbf16> to vector<128x16xbf16>
    %dot_general3A_120 = arith.constant dense<0.000000e+00> : vector<128x16xf32>
    %dot_general3A_121 = tpu.matmul %convert_element_type3A_90, %slice3A_119, %dot_general3A_120 {dimension_numbers = #tpu.dot_dimension_numbers<[1], [0], [0], [1], [0, 0, 1, 1], [], []>, transpose_lhs_hint = false} : vector<128x128xbf16>, vector<128x16xbf16>, vector<128x16xf32> -> vector<128x16xf32>
    %slice3A_122 = vector.extract_strided_slice %dot_general3A_121 {offsets = [127, 0], sizes = [1, 16], strides = [1, 1]} : vector<128x16xf32> to vector<1x16xf32>
    %slice3A_123 = vector.extract_strided_slice %slice3A_119 {offsets = [127, 0], sizes = [1, 16], strides = [1, 1]} : vector<128x16xbf16> to vector<1x16xbf16>
    %convert_element_type3A_124 = arith.extf %slice3A_123 : vector<1x16xbf16> to vector<1x16xf32>
    %add3A_125 = arith.addf %slice3A_122, %convert_element_type3A_124 : vector<1x16xf32>
    %slice3A_126 = vector.extract_strided_slice %concatenate3A {offsets = [640, 0], sizes = [128, 16], strides = [1, 1]} : vector<2048x16xbf16> to vector<128x16xbf16>
    %dot_general3A_127 = arith.constant dense<0.000000e+00> : vector<128x16xf32>
    %dot_general3A_128 = tpu.matmul %convert_element_type3A_90, %slice3A_126, %dot_general3A_127 {dimension_numbers = #tpu.dot_dimension_numbers<[1], [0], [0], [1], [0, 0, 1, 1], [], []>, transpose_lhs_hint = false} : vector<128x128xbf16>, vector<128x16xbf16>, vector<128x16xf32> -> vector<128x16xf32>
    %slice3A_129 = vector.extract_strided_slice %dot_general3A_128 {offsets = [127, 0], sizes = [1, 16], strides = [1, 1]} : vector<128x16xf32> to vector<1x16xf32>
    %slice3A_130 = vector.extract_strided_slice %slice3A_126 {offsets = [127, 0], sizes = [1, 16], strides = [1, 1]} : vector<128x16xbf16> to vector<1x16xbf16>
    %convert_element_type3A_131 = arith.extf %slice3A_130 : vector<1x16xbf16> to vector<1x16xf32>
    %add3A_132 = arith.addf %slice3A_129, %convert_element_type3A_131 : vector<1x16xf32>
    %slice3A_133 = vector.extract_strided_slice %concatenate3A {offsets = [768, 0], sizes = [128, 16], strides = [1, 1]} : vector<2048x16xbf16> to vector<128x16xbf16>
    %dot_general3A_134 = arith.constant dense<0.000000e+00> : vector<128x16xf32>
    %dot_general3A_135 = tpu.matmul %convert_element_type3A_90, %slice3A_133, %dot_general3A_134 {dimension_numbers = #tpu.dot_dimension_numbers<[1], [0], [0], [1], [0, 0, 1, 1], [], []>, transpose_lhs_hint = false} : vector<128x128xbf16>, vector<128x16xbf16>, vector<128x16xf32> -> vector<128x16xf32>
    %slice3A_136 = vector.extract_strided_slice %dot_general3A_135 {offsets = [127, 0], sizes = [1, 16], strides = [1, 1]} : vector<128x16xf32> to vector<1x16xf32>
    %slice3A_137 = vector.extract_strided_slice %slice3A_133 {offsets = [127, 0], sizes = [1, 16], strides = [1, 1]} : vector<128x16xbf16> to vector<1x16xbf16>
    %convert_element_type3A_138 = arith.extf %slice3A_137 : vector<1x16xbf16> to vector<1x16xf32>
    %add3A_139 = arith.addf %slice3A_136, %convert_element_type3A_138 : vector<1x16xf32>
    %slice3A_140 = vector.extract_strided_slice %concatenate3A {offsets = [896, 0], sizes = [128, 16], strides = [1, 1]} : vector<2048x16xbf16> to vector<128x16xbf16>
    %dot_general3A_141 = arith.constant dense<0.000000e+00> : vector<128x16xf32>
    %dot_general3A_142 = tpu.matmul %convert_element_type3A_90, %slice3A_140, %dot_general3A_141 {dimension_numbers = #tpu.dot_dimension_numbers<[1], [0], [0], [1], [0, 0, 1, 1], [], []>, transpose_lhs_hint = false} : vector<128x128xbf16>, vector<128x16xbf16>, vector<128x16xf32> -> vector<128x16xf32>
    %slice3A_143 = vector.extract_strided_slice %dot_general3A_142 {offsets = [127, 0], sizes = [1, 16], strides = [1, 1]} : vector<128x16xf32> to vector<1x16xf32>
    %slice3A_144 = vector.extract_strided_slice %slice3A_140 {offsets = [127, 0], sizes = [1, 16], strides = [1, 1]} : vector<128x16xbf16> to vector<1x16xbf16>
    %convert_element_type3A_145 = arith.extf %slice3A_144 : vector<1x16xbf16> to vector<1x16xf32>
    %add3A_146 = arith.addf %slice3A_143, %convert_element_type3A_145 : vector<1x16xf32>
    %slice3A_147 = vector.extract_strided_slice %concatenate3A {offsets = [1024, 0], sizes = [128, 16], strides = [1, 1]} : vector<2048x16xbf16> to vector<128x16xbf16>
    %dot_general3A_148 = arith.constant dense<0.000000e+00> : vector<128x16xf32>
    %dot_general3A_149 = tpu.matmul %convert_element_type3A_90, %slice3A_147, %dot_general3A_148 {dimension_numbers = #tpu.dot_dimension_numbers<[1], [0], [0], [1], [0, 0, 1, 1], [], []>, transpose_lhs_hint = false} : vector<128x128xbf16>, vector<128x16xbf16>, vector<128x16xf32> -> vector<128x16xf32>
    %slice3A_150 = vector.extract_strided_slice %dot_general3A_149 {offsets = [127, 0], sizes = [1, 16], strides = [1, 1]} : vector<128x16xf32> to vector<1x16xf32>
    %slice3A_151 = vector.extract_strided_slice %slice3A_147 {offsets = [127, 0], sizes = [1, 16], strides = [1, 1]} : vector<128x16xbf16> to vector<1x16xbf16>
    %convert_element_type3A_152 = arith.extf %slice3A_151 : vector<1x16xbf16> to vector<1x16xf32>
    %add3A_153 = arith.addf %slice3A_150, %convert_element_type3A_152 : vector<1x16xf32>
    %slice3A_154 = vector.extract_strided_slice %concatenate3A {offsets = [1152, 0], sizes = [128, 16], strides = [1, 1]} : vector<2048x16xbf16> to vector<128x16xbf16>
    %dot_general3A_155 = arith.constant dense<0.000000e+00> : vector<128x16xf32>
    %dot_general3A_156 = tpu.matmul %convert_element_type3A_90, %slice3A_154, %dot_general3A_155 {dimension_numbers = #tpu.dot_dimension_numbers<[1], [0], [0], [1], [0, 0, 1, 1], [], []>, transpose_lhs_hint = false} : vector<128x128xbf16>, vector<128x16xbf16>, vector<128x16xf32> -> vector<128x16xf32>
    %slice3A_157 = vector.extract_strided_slice %dot_general3A_156 {offsets = [127, 0], sizes = [1, 16], strides = [1, 1]} : vector<128x16xf32> to vector<1x16xf32>
    %slice3A_158 = vector.extract_strided_slice %slice3A_154 {offsets = [127, 0], sizes = [1, 16], strides = [1, 1]} : vector<128x16xbf16> to vector<1x16xbf16>
    %convert_element_type3A_159 = arith.extf %slice3A_158 : vector<1x16xbf16> to vector<1x16xf32>
    %add3A_160 = arith.addf %slice3A_157, %convert_element_type3A_159 : vector<1x16xf32>
    %slice3A_161 = vector.extract_strided_slice %concatenate3A {offsets = [1280, 0], sizes = [128, 16], strides = [1, 1]} : vector<2048x16xbf16> to vector<128x16xbf16>
    %dot_general3A_162 = arith.constant dense<0.000000e+00> : vector<128x16xf32>
    %dot_general3A_163 = tpu.matmul %convert_element_type3A_90, %slice3A_161, %dot_general3A_162 {dimension_numbers = #tpu.dot_dimension_numbers<[1], [0], [0], [1], [0, 0, 1, 1], [], []>, transpose_lhs_hint = false} : vector<128x128xbf16>, vector<128x16xbf16>, vector<128x16xf32> -> vector<128x16xf32>
    %slice3A_164 = vector.extract_strided_slice %dot_general3A_163 {offsets = [127, 0], sizes = [1, 16], strides = [1, 1]} : vector<128x16xf32> to vector<1x16xf32>
    %slice3A_165 = vector.extract_strided_slice %slice3A_161 {offsets = [127, 0], sizes = [1, 16], strides = [1, 1]} : vector<128x16xbf16> to vector<1x16xbf16>
    %convert_element_type3A_166 = arith.extf %slice3A_165 : vector<1x16xbf16> to vector<1x16xf32>
    %add3A_167 = arith.addf %slice3A_164, %convert_element_type3A_166 : vector<1x16xf32>
    %slice3A_168 = vector.extract_strided_slice %concatenate3A {offsets = [1408, 0], sizes = [128, 16], strides = [1, 1]} : vector<2048x16xbf16> to vector<128x16xbf16>
    %dot_general3A_169 = arith.constant dense<0.000000e+00> : vector<128x16xf32>
    %dot_general3A_170 = tpu.matmul %convert_element_type3A_90, %slice3A_168, %dot_general3A_169 {dimension_numbers = #tpu.dot_dimension_numbers<[1], [0], [0], [1], [0, 0, 1, 1], [], []>, transpose_lhs_hint = false} : vector<128x128xbf16>, vector<128x16xbf16>, vector<128x16xf32> -> vector<128x16xf32>
    %slice3A_171 = vector.extract_strided_slice %dot_general3A_170 {offsets = [127, 0], sizes = [1, 16], strides = [1, 1]} : vector<128x16xf32> to vector<1x16xf32>
    %slice3A_172 = vector.extract_strided_slice %slice3A_168 {offsets = [127, 0], sizes = [1, 16], strides = [1, 1]} : vector<128x16xbf16> to vector<1x16xbf16>
    %convert_element_type3A_173 = arith.extf %slice3A_172 : vector<1x16xbf16> to vector<1x16xf32>
    %add3A_174 = arith.addf %slice3A_171, %convert_element_type3A_173 : vector<1x16xf32>
    %slice3A_175 = vector.extract_strided_slice %concatenate3A {offsets = [1536, 0], sizes = [128, 16], strides = [1, 1]} : vector<2048x16xbf16> to vector<128x16xbf16>
    %dot_general3A_176 = arith.constant dense<0.000000e+00> : vector<128x16xf32>
    %dot_general3A_177 = tpu.matmul %convert_element_type3A_90, %slice3A_175, %dot_general3A_176 {dimension_numbers = #tpu.dot_dimension_numbers<[1], [0], [0], [1], [0, 0, 1, 1], [], []>, transpose_lhs_hint = false} : vector<128x128xbf16>, vector<128x16xbf16>, vector<128x16xf32> -> vector<128x16xf32>
    %slice3A_178 = vector.extract_strided_slice %dot_general3A_177 {offsets = [127, 0], sizes = [1, 16], strides = [1, 1]} : vector<128x16xf32> to vector<1x16xf32>
    %slice3A_179 = vector.extract_strided_slice %slice3A_175 {offsets = [127, 0], sizes = [1, 16], strides = [1, 1]} : vector<128x16xbf16> to vector<1x16xbf16>
    %convert_element_type3A_180 = arith.extf %slice3A_179 : vector<1x16xbf16> to vector<1x16xf32>
    %add3A_181 = arith.addf %slice3A_178, %convert_element_type3A_180 : vector<1x16xf32>
    %slice3A_182 = vector.extract_strided_slice %concatenate3A {offsets = [1664, 0], sizes = [128, 16], strides = [1, 1]} : vector<2048x16xbf16> to vector<128x16xbf16>
    %dot_general3A_183 = arith.constant dense<0.000000e+00> : vector<128x16xf32>
    %dot_general3A_184 = tpu.matmul %convert_element_type3A_90, %slice3A_182, %dot_general3A_183 {dimension_numbers = #tpu.dot_dimension_numbers<[1], [0], [0], [1], [0, 0, 1, 1], [], []>, transpose_lhs_hint = false} : vector<128x128xbf16>, vector<128x16xbf16>, vector<128x16xf32> -> vector<128x16xf32>
    %slice3A_185 = vector.extract_strided_slice %dot_general3A_184 {offsets = [127, 0], sizes = [1, 16], strides = [1, 1]} : vector<128x16xf32> to vector<1x16xf32>
    %slice3A_186 = vector.extract_strided_slice %slice3A_182 {offsets = [127, 0], sizes = [1, 16], strides = [1, 1]} : vector<128x16xbf16> to vector<1x16xbf16>
    %convert_element_type3A_187 = arith.extf %slice3A_186 : vector<1x16xbf16> to vector<1x16xf32>
    %add3A_188 = arith.addf %slice3A_185, %convert_element_type3A_187 : vector<1x16xf32>
    %slice3A_189 = vector.extract_strided_slice %concatenate3A {offsets = [1792, 0], sizes = [128, 16], strides = [1, 1]} : vector<2048x16xbf16> to vector<128x16xbf16>
    %dot_general3A_190 = arith.constant dense<0.000000e+00> : vector<128x16xf32>
    %dot_general3A_191 = tpu.matmul %convert_element_type3A_90, %slice3A_189, %dot_general3A_190 {dimension_numbers = #tpu.dot_dimension_numbers<[1], [0], [0], [1], [0, 0, 1, 1], [], []>, transpose_lhs_hint = false} : vector<128x128xbf16>, vector<128x16xbf16>, vector<128x16xf32> -> vector<128x16xf32>
    %slice3A_192 = vector.extract_strided_slice %dot_general3A_191 {offsets = [127, 0], sizes = [1, 16], strides = [1, 1]} : vector<128x16xf32> to vector<1x16xf32>
    %slice3A_193 = vector.extract_strided_slice %slice3A_189 {offsets = [127, 0], sizes = [1, 16], strides = [1, 1]} : vector<128x16xbf16> to vector<1x16xbf16>
    %convert_element_type3A_194 = arith.extf %slice3A_193 : vector<1x16xbf16> to vector<1x16xf32>
    %add3A_195 = arith.addf %slice3A_192, %convert_element_type3A_194 : vector<1x16xf32>
    %slice3A_196 = vector.extract_strided_slice %concatenate3A {offsets = [1920, 0], sizes = [128, 16], strides = [1, 1]} : vector<2048x16xbf16> to vector<128x16xbf16>
    %dot_general3A_197 = arith.constant dense<0.000000e+00> : vector<128x16xf32>
    %dot_general3A_198 = tpu.matmul %convert_element_type3A_90, %slice3A_196, %dot_general3A_197 {dimension_numbers = #tpu.dot_dimension_numbers<[1], [0], [0], [1], [0, 0, 1, 1], [], []>, transpose_lhs_hint = false} : vector<128x128xbf16>, vector<128x16xbf16>, vector<128x16xf32> -> vector<128x16xf32>
    %slice3A_199 = vector.extract_strided_slice %dot_general3A_198 {offsets = [127, 0], sizes = [1, 16], strides = [1, 1]} : vector<128x16xf32> to vector<1x16xf32>
    %slice3A_200 = vector.extract_strided_slice %slice3A_196 {offsets = [127, 0], sizes = [1, 16], strides = [1, 1]} : vector<128x16xbf16> to vector<1x16xbf16>
    %convert_element_type3A_201 = arith.extf %slice3A_200 : vector<1x16xbf16> to vector<1x16xf32>
    %add3A_202 = arith.addf %slice3A_199, %convert_element_type3A_201 : vector<1x16xf32>
    %concatenate3A_203 = tpu.concatenate %add3A_97, %add3A_104, %add3A_111, %add3A_118, %add3A_125, %add3A_132, %add3A_139, %add3A_146, %add3A_153, %add3A_160, %add3A_167, %add3A_174, %add3A_181, %add3A_188, %add3A_195, %add3A_202 in 0 : vector<1x16xf32>, vector<1x16xf32>, vector<1x16xf32>, vector<1x16xf32>, vector<1x16xf32>, vector<1x16xf32>, vector<1x16xf32>, vector<1x16xf32>, vector<1x16xf32>, vector<1x16xf32>, vector<1x16xf32>, vector<1x16xf32>, vector<1x16xf32>, vector<1x16xf32>, vector<1x16xf32>, vector<1x16xf32> -> vector<16x16xf32>
    %iota3A_204 = tpu.iota {dimensions = array<i32: 0>} : vector<16x16xi32>
    %iota3A_205 = tpu.iota {dimensions = array<i32: 1>} : vector<16x16xi32>
    %lt3A_206 = arith.cmpi slt, %iota3A_205, %iota3A_204 : vector<16x16xi32>
    %convert_element_type3A_207 = arith.extui %lt3A_206 : vector<16x16xi1> to vector<16x16xi32>
    %convert_element_type3A_208 = arith.sitofp %convert_element_type3A_207 : vector<16x16xi32> to vector<16x16xf32>
    %dot_general3A_209 = arith.constant dense<0.000000e+00> : vector<16x16xf32>
    %dot_general3A_210 = tpu.matmul %convert_element_type3A_208, %concatenate3A_203, %dot_general3A_209 {dimension_numbers = #tpu.dot_dimension_numbers<[1], [0], [0], [1], [0, 0, 1, 1], [], []>, transpose_lhs_hint = false} : vector<16x16xf32>, vector<16x16xf32>, vector<16x16xf32> -> vector<16x16xf32>
    %slice3A_211 = vector.extract_strided_slice %dot_general3A_210 {offsets = [0, 0], sizes = [1, 16], strides = [1, 1]} : vector<16x16xf32> to vector<1x16xf32>
    %add3A_212 = vector.broadcast %slice3A_211 : vector<1x16xf32> to vector<128x16xf32>
    %add3A_213 = arith.addf %dot_general3A_93, %add3A_212 : vector<128x16xf32>
    %slice3A_214 = vector.extract_strided_slice %dot_general3A_210 {offsets = [1, 0], sizes = [1, 16], strides = [1, 1]} : vector<16x16xf32> to vector<1x16xf32>
    %add3A_215 = vector.broadcast %slice3A_214 : vector<1x16xf32> to vector<128x16xf32>
    %add3A_216 = arith.addf %dot_general3A_100, %add3A_215 : vector<128x16xf32>
    %slice3A_217 = vector.extract_strided_slice %dot_general3A_210 {offsets = [2, 0], sizes = [1, 16], strides = [1, 1]} : vector<16x16xf32> to vector<1x16xf32>
    %add3A_218 = vector.broadcast %slice3A_217 : vector<1x16xf32> to vector<128x16xf32>
    %add3A_219 = arith.addf %dot_general3A_107, %add3A_218 : vector<128x16xf32>
    %slice3A_220 = vector.extract_strided_slice %dot_general3A_210 {offsets = [3, 0], sizes = [1, 16], strides = [1, 1]} : vector<16x16xf32> to vector<1x16xf32>
    %add3A_221 = vector.broadcast %slice3A_220 : vector<1x16xf32> to vector<128x16xf32>
    %add3A_222 = arith.addf %dot_general3A_114, %add3A_221 : vector<128x16xf32>
    %slice3A_223 = vector.extract_strided_slice %dot_general3A_210 {offsets = [4, 0], sizes = [1, 16], strides = [1, 1]} : vector<16x16xf32> to vector<1x16xf32>
    %add3A_224 = vector.broadcast %slice3A_223 : vector<1x16xf32> to vector<128x16xf32>
    %add3A_225 = arith.addf %dot_general3A_121, %add3A_224 : vector<128x16xf32>
    %slice3A_226 = vector.extract_strided_slice %dot_general3A_210 {offsets = [5, 0], sizes = [1, 16], strides = [1, 1]} : vector<16x16xf32> to vector<1x16xf32>
    %add3A_227 = vector.broadcast %slice3A_226 : vector<1x16xf32> to vector<128x16xf32>
    %add3A_228 = arith.addf %dot_general3A_128, %add3A_227 : vector<128x16xf32>
    %slice3A_229 = vector.extract_strided_slice %dot_general3A_210 {offsets = [6, 0], sizes = [1, 16], strides = [1, 1]} : vector<16x16xf32> to vector<1x16xf32>
    %add3A_230 = vector.broadcast %slice3A_229 : vector<1x16xf32> to vector<128x16xf32>
    %add3A_231 = arith.addf %dot_general3A_135, %add3A_230 : vector<128x16xf32>
    %slice3A_232 = vector.extract_strided_slice %dot_general3A_210 {offsets = [7, 0], sizes = [1, 16], strides = [1, 1]} : vector<16x16xf32> to vector<1x16xf32>
    %add3A_233 = vector.broadcast %slice3A_232 : vector<1x16xf32> to vector<128x16xf32>
    %add3A_234 = arith.addf %dot_general3A_142, %add3A_233 : vector<128x16xf32>
    %slice3A_235 = vector.extract_strided_slice %dot_general3A_210 {offsets = [8, 0], sizes = [1, 16], strides = [1, 1]} : vector<16x16xf32> to vector<1x16xf32>
    %add3A_236 = vector.broadcast %slice3A_235 : vector<1x16xf32> to vector<128x16xf32>
    %add3A_237 = arith.addf %dot_general3A_149, %add3A_236 : vector<128x16xf32>
    %slice3A_238 = vector.extract_strided_slice %dot_general3A_210 {offsets = [9, 0], sizes = [1, 16], strides = [1, 1]} : vector<16x16xf32> to vector<1x16xf32>
    %add3A_239 = vector.broadcast %slice3A_238 : vector<1x16xf32> to vector<128x16xf32>
    %add3A_240 = arith.addf %dot_general3A_156, %add3A_239 : vector<128x16xf32>
    %slice3A_241 = vector.extract_strided_slice %dot_general3A_210 {offsets = [10, 0], sizes = [1, 16], strides = [1, 1]} : vector<16x16xf32> to vector<1x16xf32>
    %add3A_242 = vector.broadcast %slice3A_241 : vector<1x16xf32> to vector<128x16xf32>
    %add3A_243 = arith.addf %dot_general3A_163, %add3A_242 : vector<128x16xf32>
    %slice3A_244 = vector.extract_strided_slice %dot_general3A_210 {offsets = [11, 0], sizes = [1, 16], strides = [1, 1]} : vector<16x16xf32> to vector<1x16xf32>
    %add3A_245 = vector.broadcast %slice3A_244 : vector<1x16xf32> to vector<128x16xf32>
    %add3A_246 = arith.addf %dot_general3A_170, %add3A_245 : vector<128x16xf32>
    %slice3A_247 = vector.extract_strided_slice %dot_general3A_210 {offsets = [12, 0], sizes = [1, 16], strides = [1, 1]} : vector<16x16xf32> to vector<1x16xf32>
    %add3A_248 = vector.broadcast %slice3A_247 : vector<1x16xf32> to vector<128x16xf32>
    %add3A_249 = arith.addf %dot_general3A_177, %add3A_248 : vector<128x16xf32>
    %slice3A_250 = vector.extract_strided_slice %dot_general3A_210 {offsets = [13, 0], sizes = [1, 16], strides = [1, 1]} : vector<16x16xf32> to vector<1x16xf32>
    %add3A_251 = vector.broadcast %slice3A_250 : vector<1x16xf32> to vector<128x16xf32>
    %add3A_252 = arith.addf %dot_general3A_184, %add3A_251 : vector<128x16xf32>
    %slice3A_253 = vector.extract_strided_slice %dot_general3A_210 {offsets = [14, 0], sizes = [1, 16], strides = [1, 1]} : vector<16x16xf32> to vector<1x16xf32>
    %add3A_254 = vector.broadcast %slice3A_253 : vector<1x16xf32> to vector<128x16xf32>
    %add3A_255 = arith.addf %dot_general3A_191, %add3A_254 : vector<128x16xf32>
    %slice3A_256 = vector.extract_strided_slice %dot_general3A_210 {offsets = [15, 0], sizes = [1, 16], strides = [1, 1]} : vector<16x16xf32> to vector<1x16xf32>
    %add3A_257 = vector.broadcast %slice3A_256 : vector<1x16xf32> to vector<128x16xf32>
    %add3A_258 = arith.addf %dot_general3A_198, %add3A_257 : vector<128x16xf32>
    %concatenate3A_259 = tpu.concatenate %add3A_213, %add3A_216, %add3A_219, %add3A_222, %add3A_225, %add3A_228, %add3A_231, %add3A_234, %add3A_237, %add3A_240, %add3A_243, %add3A_246, %add3A_249, %add3A_252, %add3A_255, %add3A_258 in 0 : vector<128x16xf32>, vector<128x16xf32>, vector<128x16xf32>, vector<128x16xf32>, vector<128x16xf32>, vector<128x16xf32>, vector<128x16xf32>, vector<128x16xf32>, vector<128x16xf32>, vector<128x16xf32>, vector<128x16xf32>, vector<128x16xf32>, vector<128x16xf32>, vector<128x16xf32>, vector<128x16xf32>, vector<128x16xf32> -> vector<2048x16xf32>
    %slice3A_260 = vector.extract_strided_slice %concatenate3A_259 {offsets = [0, 0], sizes = [2048, 8], strides = [1, 1]} : vector<2048x16xf32> to vector<2048x8xf32>
    %slice3A_261 = vector.extract_strided_slice %concatenate3A_259 {offsets = [0, 8], sizes = [2048, 8], strides = [1, 1]} : vector<2048x16xf32> to vector<2048x8xf32>
    %slice3A_262 = vector.extract_strided_slice %dot_general3A_210 {offsets = [15, 0], sizes = [1, 16], strides = [1, 1]} : vector<16x16xf32> to vector<1x16xf32>
    %slice3A_263 = vector.extract_strided_slice %concatenate3A_203 {offsets = [15, 0], sizes = [1, 16], strides = [1, 1]} : vector<16x16xf32> to vector<1x16xf32>
    %add3A_264 = arith.addf %slice3A_262, %slice3A_263 : vector<1x16xf32>
    %slice3A_265 = vector.extract_strided_slice %add3A_264 {offsets = [0, 0], sizes = [1, 8], strides = [1, 1]} : vector<1x16xf32> to vector<1x8xf32>
    %slice3A_266 = vector.extract_strided_slice %add3A_264 {offsets = [0, 8], sizes = [1, 8], strides = [1, 1]} : vector<1x16xf32> to vector<1x8xf32>
    %add3A_267 = arith.addf %slice3A_265, %slice3A_266 : vector<1x8xf32>
    %mul3A = arith.constant 3.906250e-03 : f32
    %mul3A_268 = vector.broadcast %mul3A : f32 to vector<1x8xf32>
    %mul3A_269 = arith.mulf %add3A_267, %mul3A_268 : vector<1x8xf32>
    %ceil3A = math.ceil %mul3A_269 : vector<1x8xf32>
    %mul3A_270 = arith.constant 2.560000e+02 : f32
    %mul3A_271 = vector.broadcast %mul3A_270 : f32 to vector<1x8xf32>
    %mul3A_272 = arith.mulf %ceil3A, %mul3A_271 : vector<1x8xf32>
    %max3A = arith.constant 2.560000e+02 : f32
    %max3A_273 = vector.broadcast %max3A : f32 to vector<1x8xf32>
    %max3A_274 = arith.maximumf %mul3A_272, %max3A_273 : vector<1x8xf32>
    %iota3A_275 = tpu.iota {dimensions = array<i32: 0>} : vector<8x8xi32>
    %iota3A_276 = tpu.iota {dimensions = array<i32: 1>} : vector<8x8xi32>
    %lt3A_277 = arith.cmpi slt, %iota3A_275, %iota3A_276 : vector<8x8xi32>
    %convert_element_type3A_278 = arith.extui %lt3A_277 : vector<8x8xi1> to vector<8x8xi32>
    %convert_element_type3A_279 = arith.sitofp %convert_element_type3A_278 : vector<8x8xi32> to vector<8x8xf32>
    %dot_general3A_280 = arith.constant dense<0.000000e+00> : vector<1x8xf32>
    %dot_general3A_281 = tpu.matmul %max3A_274, %convert_element_type3A_279, %dot_general3A_280 {dimension_numbers = #tpu.dot_dimension_numbers<[1], [0], [0], [1], [0, 0, 1, 1], [], []>, transpose_lhs_hint = false} : vector<1x8xf32>, vector<8x8xf32>, vector<1x8xf32> -> vector<1x8xf32>
    %eq3A_282 = vector.broadcast %broadcast_in_dim3A_34 : vector<2048x1xi32> to vector<2048x8xi32>
    %eq3A_283 = arith.cmpi eq, %iota3A, %eq3A_282 : vector<2048x8xi32>
    %add3A_284 = vector.broadcast %dot_general3A_281 : vector<1x8xf32> to vector<2048x8xf32>
    %add3A_285 = arith.addf %add3A_284, %slice3A_260 : vector<2048x8xf32>
    %jit3A_286 = arith.constant 0.000000e+00 : f32
    %broadcast_in_dim3A_287 = vector.broadcast %jit3A_286 : f32 to vector<2048x8xf32>
    %select_n3A_288 = arith.select %eq3A_283, %add3A_285, %broadcast_in_dim3A_287 : vector<2048x8xi1>, vector<2048x8xf32>
    %reduce_sum3A_289 = arith.constant dense<0.000000e+00> : vector<2048xf32>
    %reduce_sum3A_290 = vector.multi_reduction <add>, %select_n3A_288, %reduce_sum3A_289 [1] : vector<2048x8xf32> to vector<2048xf32>
    %broadcast_in_dim3A_291 = vector.shape_cast %reduce_sum3A_290 : vector<2048xf32> to vector<2048x1xf32>
    %eq3A_292 = vector.broadcast %broadcast_in_dim3A_50 : vector<2048x1xi32> to vector<2048x8xi32>
    %eq3A_293 = arith.cmpi eq, %iota3A, %eq3A_292 : vector<2048x8xi32>
    %add3A_294 = arith.addf %dot_general3A_281, %slice3A_265 : vector<1x8xf32>
    %add3A_295 = vector.broadcast %add3A_294 : vector<1x8xf32> to vector<2048x8xf32>
    %add3A_296 = arith.addf %add3A_295, %slice3A_261 : vector<2048x8xf32>
    %jit3A_297 = arith.constant 0.000000e+00 : f32
    %broadcast_in_dim3A_298 = vector.broadcast %jit3A_297 : f32 to vector<2048x8xf32>
    %select_n3A_299 = arith.select %eq3A_293, %add3A_296, %broadcast_in_dim3A_298 : vector<2048x8xi1>, vector<2048x8xf32>
    %reduce_sum3A_300 = arith.constant dense<0.000000e+00> : vector<2048xf32>
    %reduce_sum3A_301 = vector.multi_reduction <add>, %select_n3A_299, %reduce_sum3A_300 [1] : vector<2048x8xf32> to vector<2048xf32>
    %broadcast_in_dim3A_302 = vector.shape_cast %reduce_sum3A_301 : vector<2048xf32> to vector<2048x1xf32>
    %convert_element_type3A_303 = arith.fptosi %broadcast_in_dim3A_291 : vector<2048x1xf32> to vector<2048x1xi32>
    %swap3A_304 = arith.constant 0 : index
    %swap3A_305 = arith.constant 0 : index
    %swap3A_306 = vector.load %arg3[%swap3A_304, %swap3A_305] : memref<2048x1xi32, #tpu.memory_space<vmem>>, vector<2048x1xi32>
    tpu.vector_store %arg3[%swap3A_304, %swap3A_305], %convert_element_type3A_303 {strides = array<i32>} : memref<2048x1xi32, #tpu.memory_space<vmem>>, vector<2048x1xi32>,
    %convert_element_type3A_307 = arith.fptosi %broadcast_in_dim3A_302 : vector<2048x1xf32> to vector<2048x1xi32>
    %swap3A_308 = arith.constant 0 : index
    %swap3A_309 = arith.constant 0 : index
    %swap3A_310 = vector.load %arg4[%swap3A_308, %swap3A_309] : memref<2048x1xi32, #tpu.memory_space<vmem>>, vector<2048x1xi32>
    tpu.vector_store %arg4[%swap3A_308, %swap3A_309], %convert_element_type3A_307 {strides = array<i32>} : memref<2048x1xi32, #tpu.memory_space<vmem>>, vector<2048x1xi32>,
    %iota3A_311 = tpu.iota {dimensions = array<i32: 0>} : vector<25x8xi32>
    %mul3A_312 = arith.constant 256 : i32
    %mul3A_313 = vector.broadcast %mul3A_312 : i32 to vector<25x8xi32>
    %mul3A_314 = arith.muli %iota3A_311, %mul3A_313 : vector<25x8xi32>
    %convert_element_type3A_315 = arith.fptosi %dot_general3A_281 : vector<1x8xf32> to vector<1x8xi32>
    %ge3A = vector.broadcast %convert_element_type3A_315 : vector<1x8xi32> to vector<25x8xi32>
    %ge3A_316 = arith.cmpi sge, %mul3A_314, %ge3A : vector<25x8xi32>
    %convert_element_type3A_317 = arith.extui %ge3A_316 : vector<25x8xi1> to vector<25x8xi32>
    %reduce_sum3A_318 = arith.constant dense<0> : vector<25xi32>
    %reduce_sum3A_319 = vector.multi_reduction <add>, %convert_element_type3A_317, %reduce_sum3A_318 [1] : vector<25x8xi32> to vector<25xi32>
    %broadcast_in_dim3A_320 = vector.shape_cast %reduce_sum3A_319 : vector<25xi32> to vector<25x1xi32>
    %sub3A_321 = arith.constant 1 : i32
    %sub3A_322 = vector.broadcast %sub3A_321 : i32 to vector<25x1xi32>
    %sub3A_323 = arith.subi %broadcast_in_dim3A_320, %sub3A_322 : vector<25x1xi32>
    %slice3A_324 = vector.extract_strided_slice %convert_element_type3A_315 {offsets = [0, 7], sizes = [1, 1], strides = [1, 1]} : vector<1x8xi32> to vector<1x1xi32>
    %squeeze3A = vector.extract %slice3A_324[0, 0] : i32 from vector<1x1xi32>
    %convert_element_type3A_325 = arith.fptosi %max3A_274 : vector<1x8xf32> to vector<1x8xi32>
    %slice3A_326 = vector.extract_strided_slice %convert_element_type3A_325 {offsets = [0, 7], sizes = [1, 1], strides = [1, 1]} : vector<1x8xi32> to vector<1x1xi32>
    %squeeze3A_327 = vector.extract %slice3A_326[0, 0] : i32 from vector<1x1xi32>
    %add3A_328 = arith.addi %squeeze3A, %squeeze3A_327 : i32
    %jit3A_329 = arith.constant 256 : i32
    %div3A_330 = arith.divsi %add3A_328, %jit3A_329 : i32
    %sign3A = arith.constant 0 : i32
    %sign3A_331 = arith.cmpi sgt, %add3A_328, %sign3A : i32
    %sign3A_332 = arith.extui %sign3A_331 : i1 to i32
    %sign3A_333 = arith.constant 0 : i32
    %sign3A_334 = arith.cmpi slt, %add3A_328, %sign3A_333 : i32
    %sign3A_335 = arith.extui %sign3A_334 : i1 to i32
    %sign3A_336 = arith.subi %sign3A_332, %sign3A_335 : i32
    %sign3A_337 = arith.constant 0 : i32
    %sign3A_338 = arith.cmpi sgt, %jit3A_329, %sign3A_337 : i32
    %sign3A_339 = arith.extui %sign3A_338 : i1 to i32
    %sign3A_340 = arith.constant 0 : i32
    %sign3A_341 = arith.cmpi slt, %jit3A_329, %sign3A_340 : i32
    %sign3A_342 = arith.extui %sign3A_341 : i1 to i32
    %sign3A_343 = arith.subi %sign3A_339, %sign3A_342 : i32
    %ne3A = arith.cmpi ne, %sign3A_336, %sign3A_343 : i32
    %rem3A = arith.remsi %add3A_328, %jit3A_329 : i32
    %ne3A_344 = arith.constant 0 : i32
    %ne3A_345 = arith.cmpi ne, %rem3A, %ne3A_344 : i32
    %and3A_346 = arith.andi %ne3A, %ne3A_345 : i1
    %sub3A_347 = arith.constant 1 : i32
    %sub3A_348 = arith.subi %div3A_330, %sub3A_347 : i32
    %select_n3A_349 = arith.select %and3A_346, %sub3A_348, %div3A_330 : i32
    %iota3A_350 = tpu.iota {dimensions = array<i32: 0>} : vector<25x1xi32>
    %eq3A_351 = arith.constant 24 : i32
    %eq3A_352 = vector.broadcast %eq3A_351 : i32 to vector<25x1xi32>
    %eq3A_353 = arith.cmpi eq, %iota3A_350, %eq3A_352 : vector<25x1xi32>
    %broadcast_in_dim3A_354 = vector.broadcast %select_n3A_349 : i32 to vector<25x1xi32>
    %select_n3A_355 = arith.select %eq3A_353, %broadcast_in_dim3A_354, %sub3A_323 : vector<25x1xi1>, vector<25x1xi32>
    %swap3A_356 = arith.constant 0 : index
    %swap3A_357 = arith.constant 0 : index
    %swap3A_358 = vector.load %arg7[%swap3A_356, %swap3A_357] : memref<25x1xi32, #tpu.memory_space<vmem>>, vector<25x1xi32>
    tpu.vector_store %arg7[%swap3A_356, %swap3A_357], %select_n3A_355 {strides = array<i32>} : memref<25x1xi32, #tpu.memory_space<vmem>>, vector<25x1xi32>,
    return
  }
}

module attributes {stable_mosaic.version = 14 : i64} {
  func.func @_group_body(%arg0: i32, %arg1: memref<25xi32, #tpu.memory_space<smem>>, %arg2: memref<256x512xi32, #tpu.memory_space<vmem>>, %arg3: memref<8x1024x512xf32, #tpu.memory_space<hbm>>, %arg4: memref<8x1024x512xf32, #tpu.memory_space<hbm>>, %arg5: memref<8x512x1024xf32, #tpu.memory_space<hbm>>, %arg6: memref<256x512xi32, #tpu.memory_space<vmem>>, %arg7: memref<2x1024x512xf32, #tpu.memory_space<vmem>>, %arg8: memref<2x1024x512xf32, #tpu.memory_space<vmem>>, %arg9: memref<2x512x1024xf32, #tpu.memory_space<vmem>>, %arg10: memref<1024x512xbf16, #tpu.memory_space<vmem>>, %arg11: memref<1024x512xbf16, #tpu.memory_space<vmem>>, %arg12: memref<512x1024xbf16, #tpu.memory_space<vmem>>, %arg13: memref<2x!tpu.dma_semaphore, #tpu.memory_space<semaphore_mem>>) attributes {dimension_semantics = [#tpu.dimension_semantics<arbitrary>], iteration_bounds = array<i64: 24>, scalar_prefetch = 1 : i64, scratch_operands = 7 : i64, tpu.core_type = #tpu.core_type<tc>, window_params = [{transform_indices = @transform_0, window_bounds = array<i64: 256, 512>}, {}, {}, {}, {transform_indices = @transform_4, window_bounds = array<i64: 256, 512>}]} {
    %get3A = arith.constant 24 : index
    %get3A_0 = memref.load %arg1[%get3A] : memref<25xi32, #tpu.memory_space<smem>>
    %get3A_1 = arith.index_cast %arg0 : i32 to index
    %get3A_2 = memref.load %arg1[%get3A_1] : memref<25xi32, #tpu.memory_space<smem>>
    %sub3A = arith.constant 1 : i32
    %sub3A_3 = arith.subi %arg0, %sub3A : i32
    %max3A = arith.constant 0 : i32
    %max3A_4 = arith.maxsi %sub3A_3, %max3A : i32
    %get3A_5 = arith.index_cast %max3A_4 : i32 to index
    %get3A_6 = memref.load %arg1[%get3A_5] : memref<25xi32, #tpu.memory_space<smem>>
    %eq3A = arith.constant 0 : i32
    %eq3A_7 = arith.cmpi eq, %arg0, %eq3A : i32
    %convert_element_type3A = arith.extui %eq3A_7 : i1 to i32
    %cond3A = arith.constant 0 : i32
    %cond3A_8 = arith.cmpi ne, %convert_element_type3A, %cond3A : i32
    scf.if %cond3A_8 {
      %dma_start3A = arith.constant 0 : i32
      %dma_start3A_18 = arith.constant 0 : i32
      %dma_start3A_19 = arith.constant 0 : i32
      %dma_start3A_20 = tpu.memref_slice %arg13[%dma_start3A_19] : memref<2x!tpu.dma_semaphore, #tpu.memory_space<semaphore_mem>> -> memref<1x!tpu.dma_semaphore, #tpu.memory_space<semaphore_mem>>
      %dma_start3A_21 = tpu.memref_squeeze %dma_start3A_20 : memref<1x!tpu.dma_semaphore, #tpu.memory_space<semaphore_mem>> -> memref<!tpu.dma_semaphore, #tpu.memory_space<semaphore_mem>>
      %dma_start3A_22 = arith.constant 0 : i32
      %dma_start3A_23 = arith.constant 0 : i32
      %dma_start3A_24 = tpu.memref_slice %arg7[%dma_start3A_18, %dma_start3A_22, %dma_start3A_23] : memref<2x1024x512xf32, #tpu.memory_space<vmem>> -> memref<1x1024x512xf32, #tpu.memory_space<vmem>>
      %dma_start3A_25 = tpu.memref_squeeze %dma_start3A_24 : memref<1x1024x512xf32, #tpu.memory_space<vmem>> -> memref<1024x512xf32, #tpu.memory_space<vmem>>
      %dma_start3A_26 = arith.constant 0 : i32
      %dma_start3A_27 = arith.constant 0 : i32
      %dma_start3A_28 = tpu.memref_slice %arg3[%dma_start3A, %dma_start3A_26, %dma_start3A_27] : memref<8x1024x512xf32, #tpu.memory_space<hbm>> -> memref<1x1024x512xf32, #tpu.memory_space<hbm>>
      %dma_start3A_29 = tpu.memref_squeeze %dma_start3A_28 : memref<1x1024x512xf32, #tpu.memory_space<hbm>> -> memref<1024x512xf32, #tpu.memory_space<hbm>>
      tpu.enqueue_dma source(%dma_start3A_29 : memref<1024x512xf32, #tpu.memory_space<hbm>>) target(%dma_start3A_25 : memref<1024x512xf32, #tpu.memory_space<vmem>>) target_semaphore(%dma_start3A_21 : memref<!tpu.dma_semaphore, #tpu.memory_space<semaphore_mem>>)
      %dma_start3A_30 = arith.constant 0 : i32
      %dma_start3A_31 = arith.constant 0 : i32
      %dma_start3A_32 = arith.constant 0 : i32
      %dma_start3A_33 = tpu.memref_slice %arg13[%dma_start3A_32] : memref<2x!tpu.dma_semaphore, #tpu.memory_space<semaphore_mem>> -> memref<1x!tpu.dma_semaphore, #tpu.memory_space<semaphore_mem>>
      %dma_start3A_34 = tpu.memref_squeeze %dma_start3A_33 : memref<1x!tpu.dma_semaphore, #tpu.memory_space<semaphore_mem>> -> memref<!tpu.dma_semaphore, #tpu.memory_space<semaphore_mem>>
      %dma_start3A_35 = arith.constant 0 : i32
      %dma_start3A_36 = arith.constant 0 : i32
      %dma_start3A_37 = tpu.memref_slice %arg8[%dma_start3A_31, %dma_start3A_35, %dma_start3A_36] : memref<2x1024x512xf32, #tpu.memory_space<vmem>> -> memref<1x1024x512xf32, #tpu.memory_space<vmem>>
      %dma_start3A_38 = tpu.memref_squeeze %dma_start3A_37 : memref<1x1024x512xf32, #tpu.memory_space<vmem>> -> memref<1024x512xf32, #tpu.memory_space<vmem>>
      %dma_start3A_39 = arith.constant 0 : i32
      %dma_start3A_40 = arith.constant 0 : i32
      %dma_start3A_41 = tpu.memref_slice %arg4[%dma_start3A_30, %dma_start3A_39, %dma_start3A_40] : memref<8x1024x512xf32, #tpu.memory_space<hbm>> -> memref<1x1024x512xf32, #tpu.memory_space<hbm>>
      %dma_start3A_42 = tpu.memref_squeeze %dma_start3A_41 : memref<1x1024x512xf32, #tpu.memory_space<hbm>> -> memref<1024x512xf32, #tpu.memory_space<hbm>>
      tpu.enqueue_dma source(%dma_start3A_42 : memref<1024x512xf32, #tpu.memory_space<hbm>>) target(%dma_start3A_38 : memref<1024x512xf32, #tpu.memory_space<vmem>>) target_semaphore(%dma_start3A_34 : memref<!tpu.dma_semaphore, #tpu.memory_space<semaphore_mem>>)
      %dma_start3A_43 = arith.constant 0 : i32
      %dma_start3A_44 = arith.constant 0 : i32
      %dma_start3A_45 = arith.constant 0 : i32
      %dma_start3A_46 = tpu.memref_slice %arg13[%dma_start3A_45] : memref<2x!tpu.dma_semaphore, #tpu.memory_space<semaphore_mem>> -> memref<1x!tpu.dma_semaphore, #tpu.memory_space<semaphore_mem>>
      %dma_start3A_47 = tpu.memref_squeeze %dma_start3A_46 : memref<1x!tpu.dma_semaphore, #tpu.memory_space<semaphore_mem>> -> memref<!tpu.dma_semaphore, #tpu.memory_space<semaphore_mem>>
      %dma_start3A_48 = arith.constant 0 : i32
      %dma_start3A_49 = arith.constant 0 : i32
      %dma_start3A_50 = tpu.memref_slice %arg9[%dma_start3A_44, %dma_start3A_48, %dma_start3A_49] : memref<2x512x1024xf32, #tpu.memory_space<vmem>> -> memref<1x512x1024xf32, #tpu.memory_space<vmem>>
      %dma_start3A_51 = tpu.memref_squeeze %dma_start3A_50 : memref<1x512x1024xf32, #tpu.memory_space<vmem>> -> memref<512x1024xf32, #tpu.memory_space<vmem>>
      %dma_start3A_52 = arith.constant 0 : i32
      %dma_start3A_53 = arith.constant 0 : i32
      %dma_start3A_54 = tpu.memref_slice %arg5[%dma_start3A_43, %dma_start3A_52, %dma_start3A_53] : memref<8x512x1024xf32, #tpu.memory_space<hbm>> -> memref<1x512x1024xf32, #tpu.memory_space<hbm>>
      %dma_start3A_55 = tpu.memref_squeeze %dma_start3A_54 : memref<1x512x1024xf32, #tpu.memory_space<hbm>> -> memref<512x1024xf32, #tpu.memory_space<hbm>>
      tpu.enqueue_dma source(%dma_start3A_55 : memref<512x1024xf32, #tpu.memory_space<hbm>>) target(%dma_start3A_51 : memref<512x1024xf32, #tpu.memory_space<vmem>>) target_semaphore(%dma_start3A_47 : memref<!tpu.dma_semaphore, #tpu.memory_space<semaphore_mem>>)
      %dma_start3A_56 = arith.constant 1 : i32
      %dma_start3A_57 = arith.constant 1 : i32
      %dma_start3A_58 = arith.constant 1 : i32
      %dma_start3A_59 = tpu.memref_slice %arg13[%dma_start3A_58] : memref<2x!tpu.dma_semaphore, #tpu.memory_space<semaphore_mem>> -> memref<1x!tpu.dma_semaphore, #tpu.memory_space<semaphore_mem>>
      %dma_start3A_60 = tpu.memref_squeeze %dma_start3A_59 : memref<1x!tpu.dma_semaphore, #tpu.memory_space<semaphore_mem>> -> memref<!tpu.dma_semaphore, #tpu.memory_space<semaphore_mem>>
      %dma_start3A_61 = arith.constant 0 : i32
      %dma_start3A_62 = arith.constant 0 : i32
      %dma_start3A_63 = tpu.memref_slice %arg7[%dma_start3A_57, %dma_start3A_61, %dma_start3A_62] : memref<2x1024x512xf32, #tpu.memory_space<vmem>> -> memref<1x1024x512xf32, #tpu.memory_space<vmem>>
      %dma_start3A_64 = tpu.memref_squeeze %dma_start3A_63 : memref<1x1024x512xf32, #tpu.memory_space<vmem>> -> memref<1024x512xf32, #tpu.memory_space<vmem>>
      %dma_start3A_65 = arith.constant 0 : i32
      %dma_start3A_66 = arith.constant 0 : i32
      %dma_start3A_67 = tpu.memref_slice %arg3[%dma_start3A_56, %dma_start3A_65, %dma_start3A_66] : memref<8x1024x512xf32, #tpu.memory_space<hbm>> -> memref<1x1024x512xf32, #tpu.memory_space<hbm>>
      %dma_start3A_68 = tpu.memref_squeeze %dma_start3A_67 : memref<1x1024x512xf32, #tpu.memory_space<hbm>> -> memref<1024x512xf32, #tpu.memory_space<hbm>>
      tpu.enqueue_dma source(%dma_start3A_68 : memref<1024x512xf32, #tpu.memory_space<hbm>>) target(%dma_start3A_64 : memref<1024x512xf32, #tpu.memory_space<vmem>>) target_semaphore(%dma_start3A_60 : memref<!tpu.dma_semaphore, #tpu.memory_space<semaphore_mem>>)
      %dma_start3A_69 = arith.constant 1 : i32
      %dma_start3A_70 = arith.constant 1 : i32
      %dma_start3A_71 = arith.constant 1 : i32
      %dma_start3A_72 = tpu.memref_slice %arg13[%dma_start3A_71] : memref<2x!tpu.dma_semaphore, #tpu.memory_space<semaphore_mem>> -> memref<1x!tpu.dma_semaphore, #tpu.memory_space<semaphore_mem>>
      %dma_start3A_73 = tpu.memref_squeeze %dma_start3A_72 : memref<1x!tpu.dma_semaphore, #tpu.memory_space<semaphore_mem>> -> memref<!tpu.dma_semaphore, #tpu.memory_space<semaphore_mem>>
      %dma_start3A_74 = arith.constant 0 : i32
      %dma_start3A_75 = arith.constant 0 : i32
      %dma_start3A_76 = tpu.memref_slice %arg8[%dma_start3A_70, %dma_start3A_74, %dma_start3A_75] : memref<2x1024x512xf32, #tpu.memory_space<vmem>> -> memref<1x1024x512xf32, #tpu.memory_space<vmem>>
      %dma_start3A_77 = tpu.memref_squeeze %dma_start3A_76 : memref<1x1024x512xf32, #tpu.memory_space<vmem>> -> memref<1024x512xf32, #tpu.memory_space<vmem>>
      %dma_start3A_78 = arith.constant 0 : i32
      %dma_start3A_79 = arith.constant 0 : i32
      %dma_start3A_80 = tpu.memref_slice %arg4[%dma_start3A_69, %dma_start3A_78, %dma_start3A_79] : memref<8x1024x512xf32, #tpu.memory_space<hbm>> -> memref<1x1024x512xf32, #tpu.memory_space<hbm>>
      %dma_start3A_81 = tpu.memref_squeeze %dma_start3A_80 : memref<1x1024x512xf32, #tpu.memory_space<hbm>> -> memref<1024x512xf32, #tpu.memory_space<hbm>>
      tpu.enqueue_dma source(%dma_start3A_81 : memref<1024x512xf32, #tpu.memory_space<hbm>>) target(%dma_start3A_77 : memref<1024x512xf32, #tpu.memory_space<vmem>>) target_semaphore(%dma_start3A_73 : memref<!tpu.dma_semaphore, #tpu.memory_space<semaphore_mem>>)
      %dma_start3A_82 = arith.constant 1 : i32
      %dma_start3A_83 = arith.constant 1 : i32
      %dma_start3A_84 = arith.constant 1 : i32
      %dma_start3A_85 = tpu.memref_slice %arg13[%dma_start3A_84] : memref<2x!tpu.dma_semaphore, #tpu.memory_space<semaphore_mem>> -> memref<1x!tpu.dma_semaphore, #tpu.memory_space<semaphore_mem>>
      %dma_start3A_86 = tpu.memref_squeeze %dma_start3A_85 : memref<1x!tpu.dma_semaphore, #tpu.memory_space<semaphore_mem>> -> memref<!tpu.dma_semaphore, #tpu.memory_space<semaphore_mem>>
      %dma_start3A_87 = arith.constant 0 : i32
      %dma_start3A_88 = arith.constant 0 : i32
      %dma_start3A_89 = tpu.memref_slice %arg9[%dma_start3A_83, %dma_start3A_87, %dma_start3A_88] : memref<2x512x1024xf32, #tpu.memory_space<vmem>> -> memref<1x512x1024xf32, #tpu.memory_space<vmem>>
      %dma_start3A_90 = tpu.memref_squeeze %dma_start3A_89 : memref<1x512x1024xf32, #tpu.memory_space<vmem>> -> memref<512x1024xf32, #tpu.memory_space<vmem>>
      %dma_start3A_91 = arith.constant 0 : i32
      %dma_start3A_92 = arith.constant 0 : i32
      %dma_start3A_93 = tpu.memref_slice %arg5[%dma_start3A_82, %dma_start3A_91, %dma_start3A_92] : memref<8x512x1024xf32, #tpu.memory_space<hbm>> -> memref<1x512x1024xf32, #tpu.memory_space<hbm>>
      %dma_start3A_94 = tpu.memref_squeeze %dma_start3A_93 : memref<1x512x1024xf32, #tpu.memory_space<hbm>> -> memref<512x1024xf32, #tpu.memory_space<hbm>>
      tpu.enqueue_dma source(%dma_start3A_94 : memref<512x1024xf32, #tpu.memory_space<hbm>>) target(%dma_start3A_90 : memref<512x1024xf32, #tpu.memory_space<vmem>>) target_semaphore(%dma_start3A_86 : memref<!tpu.dma_semaphore, #tpu.memory_space<semaphore_mem>>)
    } else {
    }
    %eq3A_9 = arith.constant 0 : i32
    %eq3A_10 = arith.cmpi eq, %arg0, %eq3A_9 : i32
    %ne3A = arith.cmpi ne, %get3A_2, %get3A_6 : i32
    %or3A = arith.ori %eq3A_10, %ne3A : i1
    %lt3A = arith.cmpi slt, %arg0, %get3A_0 : i32
    %and3A = arith.andi %or3A, %lt3A : i1
    %convert_element_type3A_11 = arith.extui %and3A : i1 to i32
    %cond3A_12 = arith.constant 0 : i32
    %cond3A_13 = arith.cmpi ne, %convert_element_type3A_11, %cond3A_12 : i32
    scf.if %cond3A_13 {
      %jit3A = arith.constant 2 : i32
      %eq3A_18 = arith.constant 0 : i32
      %eq3A_19 = arith.cmpi eq, %jit3A, %eq3A_18 : i32
      %jit3A_20 = arith.constant 1 : i32
      %select_n3A = arith.select %eq3A_19, %jit3A_20, %jit3A : i32
      %rem3A = arith.remsi %get3A_2, %select_n3A : i32
      %ne3A_21 = arith.constant 0 : i32
      %ne3A_22 = arith.cmpi ne, %rem3A, %ne3A_21 : i32
      %lt3A_23 = arith.constant 0 : i32
      %lt3A_24 = arith.cmpi slt, %rem3A, %lt3A_23 : i32
      %lt3A_25 = arith.constant 0 : i32
      %lt3A_26 = arith.cmpi slt, %select_n3A, %lt3A_25 : i32
      %ne3A_27 = arith.xori %lt3A_24, %lt3A_26 : i1
      %and3A_28 = arith.andi %ne3A_27, %ne3A_22 : i1
      %add3A = arith.addi %rem3A, %select_n3A : i32
      %select_n3A_29 = arith.select %and3A_28, %add3A, %rem3A : i32
      %dma_wait3A = tpu.memref_slice %arg13[%select_n3A_29] : memref<2x!tpu.dma_semaphore, #tpu.memory_space<semaphore_mem>> -> memref<1x!tpu.dma_semaphore, #tpu.memory_space<semaphore_mem>>
      %dma_wait3A_30 = tpu.memref_squeeze %dma_wait3A : memref<1x!tpu.dma_semaphore, #tpu.memory_space<semaphore_mem>> -> memref<!tpu.dma_semaphore, #tpu.memory_space<semaphore_mem>>
      %dma_wait3A_31 = arith.constant 0 : i32
      %dma_wait3A_32 = arith.constant 0 : i32
      %dma_wait3A_33 = tpu.memref_slice %arg7[%select_n3A_29, %dma_wait3A_31, %dma_wait3A_32] : memref<2x1024x512xf32, #tpu.memory_space<vmem>> -> memref<1x1024x512xf32, #tpu.memory_space<vmem>>
      %dma_wait3A_34 = tpu.memref_squeeze %dma_wait3A_33 : memref<1x1024x512xf32, #tpu.memory_space<vmem>> -> memref<1024x512xf32, #tpu.memory_space<vmem>>
      %dma_wait3A_35 = arith.constant 0 : i32
      %dma_wait3A_36 = arith.constant 0 : i32
      %dma_wait3A_37 = tpu.memref_slice %arg3[%get3A_2, %dma_wait3A_35, %dma_wait3A_36] : memref<8x1024x512xf32, #tpu.memory_space<hbm>> -> memref<1x1024x512xf32, #tpu.memory_space<hbm>>
      %dma_wait3A_38 = tpu.memref_squeeze %dma_wait3A_37 : memref<1x1024x512xf32, #tpu.memory_space<hbm>> -> memref<1024x512xf32, #tpu.memory_space<hbm>>
      tpu.wait_dma2 semaphore(%dma_wait3A_30 : memref<!tpu.dma_semaphore, #tpu.memory_space<semaphore_mem>>) src(%dma_wait3A_38 : memref<1024x512xf32, #tpu.memory_space<hbm>>) dst(%dma_wait3A_34 : memref<1024x512xf32, #tpu.memory_space<vmem>>)
      %dma_wait3A_39 = tpu.memref_slice %arg13[%select_n3A_29] : memref<2x!tpu.dma_semaphore, #tpu.memory_space<semaphore_mem>> -> memref<1x!tpu.dma_semaphore, #tpu.memory_space<semaphore_mem>>
      %dma_wait3A_40 = tpu.memref_squeeze %dma_wait3A_39 : memref<1x!tpu.dma_semaphore, #tpu.memory_space<semaphore_mem>> -> memref<!tpu.dma_semaphore, #tpu.memory_space<semaphore_mem>>
      %dma_wait3A_41 = arith.constant 0 : i32
      %dma_wait3A_42 = arith.constant 0 : i32
      %dma_wait3A_43 = tpu.memref_slice %arg8[%select_n3A_29, %dma_wait3A_41, %dma_wait3A_42] : memref<2x1024x512xf32, #tpu.memory_space<vmem>> -> memref<1x1024x512xf32, #tpu.memory_space<vmem>>
      %dma_wait3A_44 = tpu.memref_squeeze %dma_wait3A_43 : memref<1x1024x512xf32, #tpu.memory_space<vmem>> -> memref<1024x512xf32, #tpu.memory_space<vmem>>
      %dma_wait3A_45 = arith.constant 0 : i32
      %dma_wait3A_46 = arith.constant 0 : i32
      %dma_wait3A_47 = tpu.memref_slice %arg4[%get3A_2, %dma_wait3A_45, %dma_wait3A_46] : memref<8x1024x512xf32, #tpu.memory_space<hbm>> -> memref<1x1024x512xf32, #tpu.memory_space<hbm>>
      %dma_wait3A_48 = tpu.memref_squeeze %dma_wait3A_47 : memref<1x1024x512xf32, #tpu.memory_space<hbm>> -> memref<1024x512xf32, #tpu.memory_space<hbm>>
      tpu.wait_dma2 semaphore(%dma_wait3A_40 : memref<!tpu.dma_semaphore, #tpu.memory_space<semaphore_mem>>) src(%dma_wait3A_48 : memref<1024x512xf32, #tpu.memory_space<hbm>>) dst(%dma_wait3A_44 : memref<1024x512xf32, #tpu.memory_space<vmem>>)
      %dma_wait3A_49 = tpu.memref_slice %arg13[%select_n3A_29] : memref<2x!tpu.dma_semaphore, #tpu.memory_space<semaphore_mem>> -> memref<1x!tpu.dma_semaphore, #tpu.memory_space<semaphore_mem>>
      %dma_wait3A_50 = tpu.memref_squeeze %dma_wait3A_49 : memref<1x!tpu.dma_semaphore, #tpu.memory_space<semaphore_mem>> -> memref<!tpu.dma_semaphore, #tpu.memory_space<semaphore_mem>>
      %dma_wait3A_51 = arith.constant 0 : i32
      %dma_wait3A_52 = arith.constant 0 : i32
      %dma_wait3A_53 = tpu.memref_slice %arg9[%select_n3A_29, %dma_wait3A_51, %dma_wait3A_52] : memref<2x512x1024xf32, #tpu.memory_space<vmem>> -> memref<1x512x1024xf32, #tpu.memory_space<vmem>>
      %dma_wait3A_54 = tpu.memref_squeeze %dma_wait3A_53 : memref<1x512x1024xf32, #tpu.memory_space<vmem>> -> memref<512x1024xf32, #tpu.memory_space<vmem>>
      %dma_wait3A_55 = arith.constant 0 : i32
      %dma_wait3A_56 = arith.constant 0 : i32
      %dma_wait3A_57 = tpu.memref_slice %arg5[%get3A_2, %dma_wait3A_55, %dma_wait3A_56] : memref<8x512x1024xf32, #tpu.memory_space<hbm>> -> memref<1x512x1024xf32, #tpu.memory_space<hbm>>
      %dma_wait3A_58 = tpu.memref_squeeze %dma_wait3A_57 : memref<1x512x1024xf32, #tpu.memory_space<hbm>> -> memref<512x1024xf32, #tpu.memory_space<hbm>>
      tpu.wait_dma2 semaphore(%dma_wait3A_50 : memref<!tpu.dma_semaphore, #tpu.memory_space<semaphore_mem>>) src(%dma_wait3A_58 : memref<512x1024xf32, #tpu.memory_space<hbm>>) dst(%dma_wait3A_54 : memref<512x1024xf32, #tpu.memory_space<vmem>>)
      %get3A_59 = arith.index_cast %select_n3A_29 : i32 to index
      %get3A_60 = arith.constant 0 : index
      %get3A_61 = arith.constant 0 : index
      %get3A_62 = vector.load %arg7[%get3A_59, %get3A_60, %get3A_61] : memref<2x1024x512xf32, #tpu.memory_space<vmem>>, vector<1x1024x512xf32>
      %get3A_63 = vector.shape_cast %get3A_62 : vector<1x1024x512xf32> to vector<1024x512xf32>
      %convert_element_type3A_64 = arith.truncf %get3A_63 : vector<1024x512xf32> to vector<1024x512xbf16>
      %swap3A = arith.constant 0 : index
      %swap3A_65 = arith.constant 0 : index
      %swap3A_66 = vector.load %arg10[%swap3A, %swap3A_65] : memref<1024x512xbf16, #tpu.memory_space<vmem>>, vector<1024x512xbf16>
      tpu.vector_store %arg10[%swap3A, %swap3A_65], %convert_element_type3A_64 {strides = array<i32>} : memref<1024x512xbf16, #tpu.memory_space<vmem>>, vector<1024x512xbf16>,
      %get3A_67 = arith.index_cast %select_n3A_29 : i32 to index
      %get3A_68 = arith.constant 0 : index
      %get3A_69 = arith.constant 0 : index
      %get3A_70 = vector.load %arg8[%get3A_67, %get3A_68, %get3A_69] : memref<2x1024x512xf32, #tpu.memory_space<vmem>>, vector<1x1024x512xf32>
      %get3A_71 = vector.shape_cast %get3A_70 : vector<1x1024x512xf32> to vector<1024x512xf32>
      %convert_element_type3A_72 = arith.truncf %get3A_71 : vector<1024x512xf32> to vector<1024x512xbf16>
      %swap3A_73 = arith.constant 0 : index
      %swap3A_74 = arith.constant 0 : index
      %swap3A_75 = vector.load %arg11[%swap3A_73, %swap3A_74] : memref<1024x512xbf16, #tpu.memory_space<vmem>>, vector<1024x512xbf16>
      tpu.vector_store %arg11[%swap3A_73, %swap3A_74], %convert_element_type3A_72 {strides = array<i32>} : memref<1024x512xbf16, #tpu.memory_space<vmem>>, vector<1024x512xbf16>,
      %get3A_76 = arith.index_cast %select_n3A_29 : i32 to index
      %get3A_77 = arith.constant 0 : index
      %get3A_78 = arith.constant 0 : index
      %get3A_79 = vector.load %arg9[%get3A_76, %get3A_77, %get3A_78] : memref<2x512x1024xf32, #tpu.memory_space<vmem>>, vector<1x512x1024xf32>
      %get3A_80 = vector.shape_cast %get3A_79 : vector<1x512x1024xf32> to vector<512x1024xf32>
      %convert_element_type3A_81 = arith.truncf %get3A_80 : vector<512x1024xf32> to vector<512x1024xbf16>
      %swap3A_82 = arith.constant 0 : index
      %swap3A_83 = arith.constant 0 : index
      %swap3A_84 = vector.load %arg12[%swap3A_82, %swap3A_83] : memref<512x1024xbf16, #tpu.memory_space<vmem>>, vector<512x1024xbf16>
      tpu.vector_store %arg12[%swap3A_82, %swap3A_83], %convert_element_type3A_81 {strides = array<i32>} : memref<512x1024xbf16, #tpu.memory_space<vmem>>, vector<512x1024xbf16>,
      %add3A_85 = arith.constant 2 : i32
      %add3A_86 = arith.addi %get3A_2, %add3A_85 : i32
      %lt3A_87 = arith.constant 8 : i32
      %lt3A_88 = arith.cmpi slt, %add3A_86, %lt3A_87 : i32
      %convert_element_type3A_89 = arith.extui %lt3A_88 : i1 to i32
      %cond3A_90 = arith.constant 0 : i32
      %cond3A_91 = arith.cmpi ne, %convert_element_type3A_89, %cond3A_90 : i32
      scf.if %cond3A_91 {
        %add3A_92 = arith.constant 2 : i32
        %add3A_93 = arith.addi %get3A_2, %add3A_92 : i32
        %dma_start3A = tpu.memref_slice %arg13[%select_n3A_29] : memref<2x!tpu.dma_semaphore, #tpu.memory_space<semaphore_mem>> -> memref<1x!tpu.dma_semaphore, #tpu.memory_space<semaphore_mem>>
        %dma_start3A_94 = tpu.memref_squeeze %dma_start3A : memref<1x!tpu.dma_semaphore, #tpu.memory_space<semaphore_mem>> -> memref<!tpu.dma_semaphore, #tpu.memory_space<semaphore_mem>>
        %dma_start3A_95 = arith.constant 0 : i32
        %dma_start3A_96 = arith.constant 0 : i32
        %dma_start3A_97 = tpu.memref_slice %arg7[%select_n3A_29, %dma_start3A_95, %dma_start3A_96] : memref<2x1024x512xf32, #tpu.memory_space<vmem>> -> memref<1x1024x512xf32, #tpu.memory_space<vmem>>
        %dma_start3A_98 = tpu.memref_squeeze %dma_start3A_97 : memref<1x1024x512xf32, #tpu.memory_space<vmem>> -> memref<1024x512xf32, #tpu.memory_space<vmem>>
        %dma_start3A_99 = arith.constant 0 : i32
        %dma_start3A_100 = arith.constant 0 : i32
        %dma_start3A_101 = tpu.memref_slice %arg3[%add3A_93, %dma_start3A_99, %dma_start3A_100] : memref<8x1024x512xf32, #tpu.memory_space<hbm>> -> memref<1x1024x512xf32, #tpu.memory_space<hbm>>
        %dma_start3A_102 = tpu.memref_squeeze %dma_start3A_101 : memref<1x1024x512xf32, #tpu.memory_space<hbm>> -> memref<1024x512xf32, #tpu.memory_space<hbm>>
        tpu.enqueue_dma source(%dma_start3A_102 : memref<1024x512xf32, #tpu.memory_space<hbm>>) target(%dma_start3A_98 : memref<1024x512xf32, #tpu.memory_space<vmem>>) target_semaphore(%dma_start3A_94 : memref<!tpu.dma_semaphore, #tpu.memory_space<semaphore_mem>>)
        %add3A_103 = arith.constant 2 : i32
        %add3A_104 = arith.addi %get3A_2, %add3A_103 : i32
        %dma_start3A_105 = tpu.memref_slice %arg13[%select_n3A_29] : memref<2x!tpu.dma_semaphore, #tpu.memory_space<semaphore_mem>> -> memref<1x!tpu.dma_semaphore, #tpu.memory_space<semaphore_mem>>
        %dma_start3A_106 = tpu.memref_squeeze %dma_start3A_105 : memref<1x!tpu.dma_semaphore, #tpu.memory_space<semaphore_mem>> -> memref<!tpu.dma_semaphore, #tpu.memory_space<semaphore_mem>>
        %dma_start3A_107 = arith.constant 0 : i32
        %dma_start3A_108 = arith.constant 0 : i32
        %dma_start3A_109 = tpu.memref_slice %arg8[%select_n3A_29, %dma_start3A_107, %dma_start3A_108] : memref<2x1024x512xf32, #tpu.memory_space<vmem>> -> memref<1x1024x512xf32, #tpu.memory_space<vmem>>
        %dma_start3A_110 = tpu.memref_squeeze %dma_start3A_109 : memref<1x1024x512xf32, #tpu.memory_space<vmem>> -> memref<1024x512xf32, #tpu.memory_space<vmem>>
        %dma_start3A_111 = arith.constant 0 : i32
        %dma_start3A_112 = arith.constant 0 : i32
        %dma_start3A_113 = tpu.memref_slice %arg4[%add3A_104, %dma_start3A_111, %dma_start3A_112] : memref<8x1024x512xf32, #tpu.memory_space<hbm>> -> memref<1x1024x512xf32, #tpu.memory_space<hbm>>
        %dma_start3A_114 = tpu.memref_squeeze %dma_start3A_113 : memref<1x1024x512xf32, #tpu.memory_space<hbm>> -> memref<1024x512xf32, #tpu.memory_space<hbm>>
        tpu.enqueue_dma source(%dma_start3A_114 : memref<1024x512xf32, #tpu.memory_space<hbm>>) target(%dma_start3A_110 : memref<1024x512xf32, #tpu.memory_space<vmem>>) target_semaphore(%dma_start3A_106 : memref<!tpu.dma_semaphore, #tpu.memory_space<semaphore_mem>>)
        %add3A_115 = arith.constant 2 : i32
        %add3A_116 = arith.addi %get3A_2, %add3A_115 : i32
        %dma_start3A_117 = tpu.memref_slice %arg13[%select_n3A_29] : memref<2x!tpu.dma_semaphore, #tpu.memory_space<semaphore_mem>> -> memref<1x!tpu.dma_semaphore, #tpu.memory_space<semaphore_mem>>
        %dma_start3A_118 = tpu.memref_squeeze %dma_start3A_117 : memref<1x!tpu.dma_semaphore, #tpu.memory_space<semaphore_mem>> -> memref<!tpu.dma_semaphore, #tpu.memory_space<semaphore_mem>>
        %dma_start3A_119 = arith.constant 0 : i32
        %dma_start3A_120 = arith.constant 0 : i32
        %dma_start3A_121 = tpu.memref_slice %arg9[%select_n3A_29, %dma_start3A_119, %dma_start3A_120] : memref<2x512x1024xf32, #tpu.memory_space<vmem>> -> memref<1x512x1024xf32, #tpu.memory_space<vmem>>
        %dma_start3A_122 = tpu.memref_squeeze %dma_start3A_121 : memref<1x512x1024xf32, #tpu.memory_space<vmem>> -> memref<512x1024xf32, #tpu.memory_space<vmem>>
        %dma_start3A_123 = arith.constant 0 : i32
        %dma_start3A_124 = arith.constant 0 : i32
        %dma_start3A_125 = tpu.memref_slice %arg5[%add3A_116, %dma_start3A_123, %dma_start3A_124] : memref<8x512x1024xf32, #tpu.memory_space<hbm>> -> memref<1x512x1024xf32, #tpu.memory_space<hbm>>
        %dma_start3A_126 = tpu.memref_squeeze %dma_start3A_125 : memref<1x512x1024xf32, #tpu.memory_space<hbm>> -> memref<512x1024xf32, #tpu.memory_space<hbm>>
        tpu.enqueue_dma source(%dma_start3A_126 : memref<512x1024xf32, #tpu.memory_space<hbm>>) target(%dma_start3A_122 : memref<512x1024xf32, #tpu.memory_space<vmem>>) target_semaphore(%dma_start3A_118 : memref<!tpu.dma_semaphore, #tpu.memory_space<semaphore_mem>>)
      } else {
      }
    } else {
    }
    %lt3A_14 = arith.cmpi slt, %arg0, %get3A_0 : i32
    %convert_element_type3A_15 = arith.extui %lt3A_14 : i1 to i32
    %cond3A_16 = arith.constant 0 : i32
    %cond3A_17 = arith.cmpi ne, %convert_element_type3A_15, %cond3A_16 : i32
    scf.if %cond3A_17 {
      %get3A_18 = arith.constant 0 : index
      %get3A_19 = arith.constant 0 : index
      %get3A_20 = vector.load %arg2[%get3A_18, %get3A_19] : memref<256x512xi32, #tpu.memory_space<vmem>>, vector<256x512xi32>
      %and3A_21 = arith.constant 65535 : i32
      %and3A_22 = vector.broadcast %and3A_21 : i32 to vector<256x512xi32>
      %and3A_23 = arith.andi %get3A_20, %and3A_22 : vector<256x512xi32>
      %convert_element_type3A_24 = arith.trunci %and3A_23 : vector<256x512xi32> to vector<256x512xi16>
      %bitcast3A = tpu.bitcast %convert_element_type3A_24 : vector<256x512xi16> -> vector<256x512xbf16>
      %shift_right_arithmetic3A = arith.constant 16 : i32
      %shift_right_arithmetic3A_25 = vector.broadcast %shift_right_arithmetic3A : i32 to vector<256x512xi32>
      %shift_right_arithmetic3A_26 = arith.shrsi %get3A_20, %shift_right_arithmetic3A_25 : vector<256x512xi32>
      %and3A_27 = arith.constant 65535 : i32
      %and3A_28 = vector.broadcast %and3A_27 : i32 to vector<256x512xi32>
      %and3A_29 = arith.andi %shift_right_arithmetic3A_26, %and3A_28 : vector<256x512xi32>
      %convert_element_type3A_30 = arith.trunci %and3A_29 : vector<256x512xi32> to vector<256x512xi16>
      %bitcast3A_31 = tpu.bitcast %convert_element_type3A_30 : vector<256x512xi16> -> vector<256x512xbf16>
      %concatenate3A = tpu.concatenate %bitcast3A, %bitcast3A_31 in 1 : vector<256x512xbf16>, vector<256x512xbf16> -> vector<256x1024xbf16>
      %get3A_32 = arith.constant 0 : index
      %get3A_33 = arith.constant 0 : index
      %get3A_34 = vector.load %arg10[%get3A_32, %get3A_33] : memref<1024x512xbf16, #tpu.memory_space<vmem>>, vector<1024x512xbf16>
      %dot_general3A = arith.constant dense<0.000000e+00> : vector<256x512xf32>
      %dot_general3A_35 = tpu.matmul %concatenate3A, %get3A_34, %dot_general3A {dimension_numbers = #tpu.dot_dimension_numbers<[1], [0], [0], [1], [0, 0, 1, 1], [], []>, transpose_lhs_hint = false} : vector<256x1024xbf16>, vector<1024x512xbf16>, vector<256x512xf32> -> vector<256x512xf32>
      %get3A_36 = arith.constant 0 : index
      %get3A_37 = arith.constant 0 : index
      %get3A_38 = vector.load %arg11[%get3A_36, %get3A_37] : memref<1024x512xbf16, #tpu.memory_space<vmem>>, vector<1024x512xbf16>
      %dot_general3A_39 = arith.constant dense<0.000000e+00> : vector<256x512xf32>
      %dot_general3A_40 = tpu.matmul %concatenate3A, %get3A_38, %dot_general3A_39 {dimension_numbers = #tpu.dot_dimension_numbers<[1], [0], [0], [1], [0, 0, 1, 1], [], []>, transpose_lhs_hint = false} : vector<256x1024xbf16>, vector<1024x512xbf16>, vector<256x512xf32> -> vector<256x512xf32>
      %logistic3A = arith.negf %dot_general3A_35 : vector<256x512xf32>
      %logistic3A_41 = math.exp %logistic3A : vector<256x512xf32>
      %logistic3A_42 = arith.constant 1.000000e+00 : f32
      %logistic3A_43 = vector.broadcast %logistic3A_42 : f32 to vector<256x512xf32>
      %logistic3A_44 = arith.addf %logistic3A_43, %logistic3A_41 : vector<256x512xf32>
      %logistic3A_45 = arith.divf %logistic3A_43, %logistic3A_44 : vector<256x512xf32>
      %mul3A = arith.mulf %dot_general3A_35, %logistic3A_45 : vector<256x512xf32>
      %mul3A_46 = arith.mulf %mul3A, %dot_general3A_40 : vector<256x512xf32>
      %convert_element_type3A_47 = arith.truncf %mul3A_46 : vector<256x512xf32> to vector<256x512xbf16>
      %get3A_48 = arith.constant 0 : index
      %get3A_49 = arith.constant 0 : index
      %get3A_50 = vector.load %arg12[%get3A_48, %get3A_49] : memref<512x1024xbf16, #tpu.memory_space<vmem>>, vector<512x1024xbf16>
      %dot_general3A_51 = arith.constant dense<0.000000e+00> : vector<256x1024xf32>
      %dot_general3A_52 = tpu.matmul %convert_element_type3A_47, %get3A_50, %dot_general3A_51 {dimension_numbers = #tpu.dot_dimension_numbers<[1], [0], [0], [1], [0, 0, 1, 1], [], []>, transpose_lhs_hint = false} : vector<256x512xbf16>, vector<512x1024xbf16>, vector<256x1024xf32> -> vector<256x1024xf32>
      %convert_element_type3A_53 = arith.truncf %dot_general3A_52 : vector<256x1024xf32> to vector<256x1024xbf16>
      %slice3A = vector.extract_strided_slice %convert_element_type3A_53 {offsets = [0, 0], sizes = [256, 512], strides = [1, 1]} : vector<256x1024xbf16> to vector<256x512xbf16>
      %bitcast3A_54 = tpu.bitcast %slice3A : vector<256x512xbf16> -> vector<256x512xi16>
      %convert_element_type3A_55 = arith.extsi %bitcast3A_54 : vector<256x512xi16> to vector<256x512xi32>
      %and3A_56 = arith.constant 65535 : i32
      %and3A_57 = vector.broadcast %and3A_56 : i32 to vector<256x512xi32>
      %and3A_58 = arith.andi %convert_element_type3A_55, %and3A_57 : vector<256x512xi32>
      %slice3A_59 = vector.extract_strided_slice %convert_element_type3A_53 {offsets = [0, 512], sizes = [256, 512], strides = [1, 1]} : vector<256x1024xbf16> to vector<256x512xbf16>
      %bitcast3A_60 = tpu.bitcast %slice3A_59 : vector<256x512xbf16> -> vector<256x512xi16>
      %convert_element_type3A_61 = arith.extsi %bitcast3A_60 : vector<256x512xi16> to vector<256x512xi32>
      %and3A_62 = arith.constant 65535 : i32
      %and3A_63 = vector.broadcast %and3A_62 : i32 to vector<256x512xi32>
      %and3A_64 = arith.andi %convert_element_type3A_61, %and3A_63 : vector<256x512xi32>
      %shift_left3A = arith.constant 16 : i32
      %shift_left3A_65 = vector.broadcast %shift_left3A : i32 to vector<256x512xi32>
      %shift_left3A_66 = arith.shli %and3A_64, %shift_left3A_65 : vector<256x512xi32>
      %or3A_67 = arith.ori %and3A_58, %shift_left3A_66 : vector<256x512xi32>
      %swap3A = arith.constant 0 : index
      %swap3A_68 = arith.constant 0 : index
      %swap3A_69 = vector.load %arg6[%swap3A, %swap3A_68] : memref<256x512xi32, #tpu.memory_space<vmem>>, vector<256x512xi32>
      tpu.vector_store %arg6[%swap3A, %swap3A_68], %or3A_67 {strides = array<i32>} : memref<256x512xi32, #tpu.memory_space<vmem>>, vector<256x512xi32>,
    } else {
    }
    return
  }
  func.func @transform_0(%arg0: i32, %arg1: memref<25xi32, #tpu.memory_space<smem>>) -> (i32, i32) {
    %c0_i32 = arith.constant 0 : i32
    %c0_i32_0 = arith.constant 0 : i32
    return %arg0, %c0_i32 : i32, i32
  }
  func.func @transform_4(%arg0: i32, %arg1: memref<25xi32, #tpu.memory_space<smem>>) -> (i32, i32) {
    %c0_i32 = arith.constant 0 : i32
    %c0_i32_0 = arith.constant 0 : i32
    return %arg0, %c0_i32 : i32, i32
  }
}

module attributes {stable_mosaic.version = 14 : i64} {
  func.func @_shared_body(%arg0: i32, %arg1: memref<256x1024xf32, #tpu.memory_space<vmem>>, %arg2: memref<1024x1024xf32, #tpu.memory_space<vmem>>, %arg3: memref<1024x1024xf32, #tpu.memory_space<vmem>>, %arg4: memref<1024x1024xf32, #tpu.memory_space<vmem>>, %arg5: memref<8x128xi32, #tpu.memory_space<vmem>>, %arg6: memref<256x1024xf32, #tpu.memory_space<vmem>>) attributes {dimension_semantics = [#tpu.dimension_semantics<arbitrary>], iteration_bounds = array<i64: 8>, scalar_prefetch = 0 : i64, scratch_operands = 0 : i64, tpu.core_type = #tpu.core_type<tc>, window_params = [{transform_indices = @transform_0, window_bounds = array<i64: 256, 1024>}, {pipeline_mode = #tpu.pipeline_mode<synchronous>, transform_indices = @transform_1, window_bounds = array<i64: 1024, 1024>}, {pipeline_mode = #tpu.pipeline_mode<synchronous>, transform_indices = @transform_2, window_bounds = array<i64: 1024, 1024>}, {pipeline_mode = #tpu.pipeline_mode<synchronous>, transform_indices = @transform_3, window_bounds = array<i64: 1024, 1024>}, {transform_indices = @transform_4, window_bounds = array<i64: 8, 128>}, {transform_indices = @transform_5, window_bounds = array<i64: 256, 1024>}]} {
    %get3A = arith.constant 0 : index
    %get3A_0 = arith.constant 0 : index
    %get3A_1 = vector.load %arg1[%get3A, %get3A_0] : memref<256x1024xf32, #tpu.memory_space<vmem>>, vector<256x1024xf32>
    %convert_element_type3A = arith.truncf %get3A_1 : vector<256x1024xf32> to vector<256x1024xbf16>
    %get3A_2 = arith.constant 0 : index
    %get3A_3 = arith.constant 0 : index
    %get3A_4 = vector.load %arg2[%get3A_2, %get3A_3] : memref<1024x1024xf32, #tpu.memory_space<vmem>>, vector<1024x1024xf32>
    %convert_element_type3A_5 = arith.truncf %get3A_4 : vector<1024x1024xf32> to vector<1024x1024xbf16>
    %dot_general3A = arith.constant dense<0.000000e+00> : vector<256x1024xf32>
    %dot_general3A_6 = tpu.matmul %convert_element_type3A, %convert_element_type3A_5, %dot_general3A {dimension_numbers = #tpu.dot_dimension_numbers<[1], [0], [0], [1], [0, 0, 1, 1], [], []>, transpose_lhs_hint = false} : vector<256x1024xbf16>, vector<1024x1024xbf16>, vector<256x1024xf32> -> vector<256x1024xf32>
    %get3A_7 = arith.constant 0 : index
    %get3A_8 = arith.constant 0 : index
    %get3A_9 = vector.load %arg3[%get3A_7, %get3A_8] : memref<1024x1024xf32, #tpu.memory_space<vmem>>, vector<1024x1024xf32>
    %convert_element_type3A_10 = arith.truncf %get3A_9 : vector<1024x1024xf32> to vector<1024x1024xbf16>
    %dot_general3A_11 = arith.constant dense<0.000000e+00> : vector<256x1024xf32>
    %dot_general3A_12 = tpu.matmul %convert_element_type3A, %convert_element_type3A_10, %dot_general3A_11 {dimension_numbers = #tpu.dot_dimension_numbers<[1], [0], [0], [1], [0, 0, 1, 1], [], []>, transpose_lhs_hint = false} : vector<256x1024xbf16>, vector<1024x1024xbf16>, vector<256x1024xf32> -> vector<256x1024xf32>
    %logistic3A = arith.negf %dot_general3A_6 : vector<256x1024xf32>
    %logistic3A_13 = math.exp %logistic3A : vector<256x1024xf32>
    %logistic3A_14 = arith.constant 1.000000e+00 : f32
    %logistic3A_15 = vector.broadcast %logistic3A_14 : f32 to vector<256x1024xf32>
    %logistic3A_16 = arith.addf %logistic3A_15, %logistic3A_13 : vector<256x1024xf32>
    %logistic3A_17 = arith.divf %logistic3A_15, %logistic3A_16 : vector<256x1024xf32>
    %mul3A = arith.mulf %dot_general3A_6, %logistic3A_17 : vector<256x1024xf32>
    %mul3A_18 = arith.mulf %mul3A, %dot_general3A_12 : vector<256x1024xf32>
    %convert_element_type3A_19 = arith.truncf %mul3A_18 : vector<256x1024xf32> to vector<256x1024xbf16>
    %get3A_20 = arith.constant 0 : index
    %get3A_21 = arith.constant 0 : index
    %get3A_22 = vector.load %arg4[%get3A_20, %get3A_21] : memref<1024x1024xf32, #tpu.memory_space<vmem>>, vector<1024x1024xf32>
    %convert_element_type3A_23 = arith.truncf %get3A_22 : vector<1024x1024xf32> to vector<1024x1024xbf16>
    %dot_general3A_24 = arith.constant dense<0.000000e+00> : vector<256x1024xf32>
    %dot_general3A_25 = tpu.matmul %convert_element_type3A_19, %convert_element_type3A_23, %dot_general3A_24 {dimension_numbers = #tpu.dot_dimension_numbers<[1], [0], [0], [1], [0, 0, 1, 1], [], []>, transpose_lhs_hint = false} : vector<256x1024xbf16>, vector<1024x1024xbf16>, vector<256x1024xf32> -> vector<256x1024xf32>
    %swap3A = arith.constant 0 : index
    %swap3A_26 = arith.constant 0 : index
    %swap3A_27 = vector.load %arg6[%swap3A, %swap3A_26] : memref<256x1024xf32, #tpu.memory_space<vmem>>, vector<256x1024xf32>
    tpu.vector_store %arg6[%swap3A, %swap3A_26], %dot_general3A_25 {strides = array<i32>} : memref<256x1024xf32, #tpu.memory_space<vmem>>, vector<256x1024xf32>,
    return
  }
  func.func @transform_0(%arg0: i32) -> (i32, i32) {
    %add3A = arith.constant 0 : i32
    %add3A_0 = arith.addi %arg0, %add3A : i32
    %c0_i32 = arith.constant 0 : i32
    %c0_i32_1 = arith.constant 0 : i32
    return %add3A_0, %c0_i32 : i32, i32
  }
  func.func @transform_1(%arg0: i32) -> (i32, i32) {
    %c0_i32 = arith.constant 0 : i32
    %c0_i32_0 = arith.constant 0 : i32
    %c0_i32_1 = arith.constant 0 : i32
    return %c0_i32, %c0_i32_0 : i32, i32
  }
  func.func @transform_2(%arg0: i32) -> (i32, i32) {
    %c0_i32 = arith.constant 0 : i32
    %c0_i32_0 = arith.constant 0 : i32
    %c0_i32_1 = arith.constant 0 : i32
    return %c0_i32, %c0_i32_0 : i32, i32
  }
  func.func @transform_3(%arg0: i32) -> (i32, i32) {
    %c0_i32 = arith.constant 0 : i32
    %c0_i32_0 = arith.constant 0 : i32
    %c0_i32_1 = arith.constant 0 : i32
    return %c0_i32, %c0_i32_0 : i32, i32
  }
  func.func @transform_4(%arg0: i32) -> (i32, i32) {
    %c0_i32 = arith.constant 0 : i32
    %c0_i32_0 = arith.constant 0 : i32
    %c0_i32_1 = arith.constant 0 : i32
    return %c0_i32, %c0_i32_0 : i32, i32
  }
  func.func @transform_5(%arg0: i32) -> (i32, i32) {
    %c0_i32 = arith.constant 0 : i32
    %c0_i32_0 = arith.constant 0 : i32
    return %arg0, %c0_i32 : i32, i32
  }
}

module attributes {stable_mosaic.version = 14 : i64} {
  func.func @_combine_body(%arg0: i32, %arg1: memref<512x1024xf32, #tpu.memory_space<vmem>>, %arg2: memref<512x512xi32, #tpu.memory_space<vmem>>, %arg3: memref<512x512xi32, #tpu.memory_space<vmem>>, %arg4: memref<512x1xf32, #tpu.memory_space<vmem>>, %arg5: memref<512x1xf32, #tpu.memory_space<vmem>>, %arg6: memref<512x1024xf32, #tpu.memory_space<vmem>>) attributes {dimension_semantics = [#tpu.dimension_semantics<arbitrary>], iteration_bounds = array<i64: 4>, scalar_prefetch = 0 : i64, scratch_operands = 0 : i64, tpu.core_type = #tpu.core_type<tc>, window_params = [{transform_indices = @transform_0, window_bounds = array<i64: 512, 1024>}, {transform_indices = @transform_1, window_bounds = array<i64: 512, 512>}, {transform_indices = @transform_2, window_bounds = array<i64: 512, 512>}, {transform_indices = @transform_3, window_bounds = array<i64: 512, 1>}, {transform_indices = @transform_4, window_bounds = array<i64: 512, 1>}, {transform_indices = @transform_5, window_bounds = array<i64: 512, 1024>}]} {
    %get3A = arith.constant 0 : index
    %get3A_0 = arith.constant 0 : index
    %get3A_1 = vector.load %arg2[%get3A, %get3A_0] : memref<512x512xi32, #tpu.memory_space<vmem>>, vector<512x512xi32>
    %and3A = arith.constant 65535 : i32
    %and3A_2 = vector.broadcast %and3A : i32 to vector<512x512xi32>
    %and3A_3 = arith.andi %get3A_1, %and3A_2 : vector<512x512xi32>
    %convert_element_type3A = arith.trunci %and3A_3 : vector<512x512xi32> to vector<512x512xi16>
    %bitcast3A = tpu.bitcast %convert_element_type3A : vector<512x512xi16> -> vector<512x512xbf16>
    %shift_right_arithmetic3A = arith.constant 16 : i32
    %shift_right_arithmetic3A_4 = vector.broadcast %shift_right_arithmetic3A : i32 to vector<512x512xi32>
    %shift_right_arithmetic3A_5 = arith.shrsi %get3A_1, %shift_right_arithmetic3A_4 : vector<512x512xi32>
    %and3A_6 = arith.constant 65535 : i32
    %and3A_7 = vector.broadcast %and3A_6 : i32 to vector<512x512xi32>
    %and3A_8 = arith.andi %shift_right_arithmetic3A_5, %and3A_7 : vector<512x512xi32>
    %convert_element_type3A_9 = arith.trunci %and3A_8 : vector<512x512xi32> to vector<512x512xi16>
    %bitcast3A_10 = tpu.bitcast %convert_element_type3A_9 : vector<512x512xi16> -> vector<512x512xbf16>
    %concatenate3A = tpu.concatenate %bitcast3A, %bitcast3A_10 in 1 : vector<512x512xbf16>, vector<512x512xbf16> -> vector<512x1024xbf16>
    %convert_element_type3A_11 = arith.extf %concatenate3A : vector<512x1024xbf16> to vector<512x1024xf32>
    %get3A_12 = arith.constant 0 : index
    %get3A_13 = arith.constant 0 : index
    %get3A_14 = vector.load %arg3[%get3A_12, %get3A_13] : memref<512x512xi32, #tpu.memory_space<vmem>>, vector<512x512xi32>
    %and3A_15 = arith.constant 65535 : i32
    %and3A_16 = vector.broadcast %and3A_15 : i32 to vector<512x512xi32>
    %and3A_17 = arith.andi %get3A_14, %and3A_16 : vector<512x512xi32>
    %convert_element_type3A_18 = arith.trunci %and3A_17 : vector<512x512xi32> to vector<512x512xi16>
    %bitcast3A_19 = tpu.bitcast %convert_element_type3A_18 : vector<512x512xi16> -> vector<512x512xbf16>
    %shift_right_arithmetic3A_20 = arith.constant 16 : i32
    %shift_right_arithmetic3A_21 = vector.broadcast %shift_right_arithmetic3A_20 : i32 to vector<512x512xi32>
    %shift_right_arithmetic3A_22 = arith.shrsi %get3A_14, %shift_right_arithmetic3A_21 : vector<512x512xi32>
    %and3A_23 = arith.constant 65535 : i32
    %and3A_24 = vector.broadcast %and3A_23 : i32 to vector<512x512xi32>
    %and3A_25 = arith.andi %shift_right_arithmetic3A_22, %and3A_24 : vector<512x512xi32>
    %convert_element_type3A_26 = arith.trunci %and3A_25 : vector<512x512xi32> to vector<512x512xi16>
    %bitcast3A_27 = tpu.bitcast %convert_element_type3A_26 : vector<512x512xi16> -> vector<512x512xbf16>
    %concatenate3A_28 = tpu.concatenate %bitcast3A_19, %bitcast3A_27 in 1 : vector<512x512xbf16>, vector<512x512xbf16> -> vector<512x1024xbf16>
    %convert_element_type3A_29 = arith.extf %concatenate3A_28 : vector<512x1024xbf16> to vector<512x1024xf32>
    %get3A_30 = arith.constant 0 : index
    %get3A_31 = arith.constant 0 : index
    %get3A_32 = vector.load %arg1[%get3A_30, %get3A_31] : memref<512x1024xf32, #tpu.memory_space<vmem>>, vector<512x1024xf32>
    %get3A_33 = arith.constant 0 : index
    %get3A_34 = arith.constant 0 : index
    %get3A_35 = vector.load %arg4[%get3A_33, %get3A_34] : memref<512x1xf32, #tpu.memory_space<vmem>>, vector<512x1xf32>
    %mul3A = vector.broadcast %get3A_35 : vector<512x1xf32> to vector<512x1024xf32>
    %mul3A_36 = arith.mulf %mul3A, %convert_element_type3A_11 : vector<512x1024xf32>
    %add3A = arith.addf %get3A_32, %mul3A_36 : vector<512x1024xf32>
    %get3A_37 = arith.constant 0 : index
    %get3A_38 = arith.constant 0 : index
    %get3A_39 = vector.load %arg5[%get3A_37, %get3A_38] : memref<512x1xf32, #tpu.memory_space<vmem>>, vector<512x1xf32>
    %mul3A_40 = vector.broadcast %get3A_39 : vector<512x1xf32> to vector<512x1024xf32>
    %mul3A_41 = arith.mulf %mul3A_40, %convert_element_type3A_29 : vector<512x1024xf32>
    %add3A_42 = arith.addf %add3A, %mul3A_41 : vector<512x1024xf32>
    %swap3A = arith.constant 0 : index
    %swap3A_43 = arith.constant 0 : index
    %swap3A_44 = vector.load %arg6[%swap3A, %swap3A_43] : memref<512x1024xf32, #tpu.memory_space<vmem>>, vector<512x1024xf32>
    tpu.vector_store %arg6[%swap3A, %swap3A_43], %add3A_42 {strides = array<i32>} : memref<512x1024xf32, #tpu.memory_space<vmem>>, vector<512x1024xf32>,
    return
  }
  func.func @transform_0(%arg0: i32) -> (i32, i32) {
    %c0_i32 = arith.constant 0 : i32
    %c0_i32_0 = arith.constant 0 : i32
    return %arg0, %c0_i32 : i32, i32
  }
  func.func @transform_1(%arg0: i32) -> (i32, i32) {
    %c0_i32 = arith.constant 0 : i32
    %c0_i32_0 = arith.constant 0 : i32
    return %arg0, %c0_i32 : i32, i32
  }
  func.func @transform_2(%arg0: i32) -> (i32, i32) {
    %add3A = arith.constant 4 : i32
    %add3A_0 = arith.addi %arg0, %add3A : i32
    %c0_i32 = arith.constant 0 : i32
    %c0_i32_1 = arith.constant 0 : i32
    return %add3A_0, %c0_i32 : i32, i32
  }
  func.func @transform_3(%arg0: i32) -> (i32, i32) {
    %c0_i32 = arith.constant 0 : i32
    %c0_i32_0 = arith.constant 0 : i32
    return %arg0, %c0_i32 : i32, i32
  }
  func.func @transform_4(%arg0: i32) -> (i32, i32) {
    %c0_i32 = arith.constant 0 : i32
    %c0_i32_0 = arith.constant 0 : i32
    return %arg0, %c0_i32 : i32, i32
  }
  func.func @transform_5(%arg0: i32) -> (i32, i32) {
    %c0_i32 = arith.constant 0 : i32
    %c0_i32_0 = arith.constant 0 : i32
    return %arg0, %c0_i32 : i32, i32
  }
}

</mosaic_0001>

<sc_bundles>
// kernel: kernel.11.cloned.1.call-start
scs
__scs_entry_jumppad:
0x0: {  	(pc) =	sbr.rel $0x88, $3  }
0x1: {  	(tag) =	ssettag $0x0;
	lr =	simm.s32 $0x1  }
0x2: {  	[smem:$0x3F98] =	sst lr;
	_ =	strace $0xD0000000  }
0x3: {  	_ = 	snop  }
0x4: {  	_ = 	snop  }
0x5: {  	_ = 	snop  }
0x6: {  	_ = 	snop  }
0x7: {  	_ = 	snop  }
__scs_overlays_trampoline_lowered:
0x8: {  	[smem:$0x3FA7] =	sst s0  }
0x9: {  	[smem:$0x3FA8] =	sst s1  }
0xa: {  	[smem:$0x3FA9] =	sst s2  }
0xb: {  	[smem:$0x3FAA] =	sst s3  }
0xc: {  	[smem:$0x3FAB] =	sst s4  }
0xd: {  	[smem:$0x3FAC] =	sst s5  }
0xe: {  	[smem:$0x3FAD] =	sst s6  }
0xf: {  	[smem:$0x3FAE] =	sst s7  }
0x10: {  	[smem:$0x3FAF] =	sst s8  }
0x11: {  	[smem:$0x3FB0] =	sst s9;
	s0 =	simm.s32 @!p0 $0x0  }
0x12: {  	s1 =	sld [smem:$0x3F96];
	s0 =	simm.s32 @p0 $0x1  }
0x13: {  	[smem:$0x3FB1] =	sst s0;
	s0 =	simm.s32 @!p1 $0x0  }
0x14: {  	s2 =	sld [smem:$0x3F95];
	s0 =	simm.s32 @p1 $0x1  }
0x15: {  	[smem:$0x3FB2] =	sst s0;
	s0 =	simm.s32 @!p2 $0x0  }
0x16: {  	s3 =	sld [smem:$0x3FDB];
	s0 =	simm.s32 @p2 $0x1  }
0x17: {  	s4 =	simm.s32 $0x1BF5;
	[smem:$0x3FB4] =	sst s0  }
0x18: {  	s0 =	sld [smem:$0x3F97];
	_ =	swait.ge [sflag:s4], $0x0  }
0x19: {  	s7 =	sld [smem:$0x3F98]  }
0x1a: {  	s8 =	sadd.s32 $0xFFFFE003, lr  }
0x1b: {  	s9 =	sadd.s32 $0xFFFFFEF7, lr;
	s5 =	simm.s32 $0xFFFFFFFF;
	p2 =	slt.u32 s8, $0xFFFFF086  }
0x1c: {  	p1 =	slt.u32 s9, $0xF7A;
	s5 =	simm.s32 @!p2 $0x0  }
0x1d: {  	s5 =	simm.s32 @p1 $0x1;
	p0 =	seq.s32 s7, s2  }
0x1e: {  	s7 =	smul.u32 @!p0 $0xF7A, s2;
	p2 =	seq.s32 @!p0 s5, $0x0  }
0x1f: {  	s9 =	smul.u32 $0xF7A, s1;
	s8 =	simm.s32 @!p0 $0x1BF5;
	p2 =	por !p2, p0  }
0x20: {  	[sflag:s8] =	ssyncset.s32 @!p0 $0xFFFFF086;
	s6 =	sadd.s32 @!p0 s3, s7;
	s7 =	simm.s32 @!p0 $0x108  }
0x21: {  	s3 =	sadd.s32 s3, s9;
	s6 =	sadd.s32 @!p0 $0x88, s6;
	s7 =	simm.s32 @p2 $0x1082  }
0x22: {  	[simem:s7], [sflag:s8] =	dma.local @!p0 [hbm:s6], $0xF7A  }
0x23: {  	s9 =	sor.u32 $0xD0000000, s2;
	s6 =	simm.s32 $0x108;
	_ =	swait.ge @!p0 [sflag:s8], $0x0  }
0x24: {  	s3 =	sadd.s32 $0x88, s3;
	s6 =	simm.s32 @!p1 $0x1082;
	[sflag:s4] =	ssyncset.s32 $0xFFFFF086  }
0x25: {  	[simem:s6], [sflag:s4] =	dma.local [hbm:s3], $0xF7A  }
0x26: {  	[smem:$0x3F98] =	sst s1;
	(tag) =	ssettag s2;
	_ =	strace s9  }
0x27: {  	s1 =	sld [smem:$0x3FA8]  }
0x28: {  	s2 =	sld [smem:$0x3FA9]  }
0x29: {  	s4 =	sld [smem:$0x3FAB]  }
0x2a: {  	p0 =	seq.s32 s5, $0x0;
	s5 =	sld [smem:$0x3FAC]  }
0x2b: {  	s6 =	sld [smem:$0x3FAD]  }
0x2c: {  	s7 =	sld [smem:$0x3FAE]  }
0x2d: {  	s3 =	simm.s32 $0x108;
	s8 =	sld [smem:$0x3FAF]  }
0x2e: {  	s3 =	simm.s32 @!p0 $0x1082;
	s9 =	sld [smem:$0x3FB0]  }
0x2f: {  	lr =	sadd.s32 s0, s3;
	s0 =	sld [smem:$0x3FA7]  }
0x30: {  	s3 =	sld [smem:$0x3FAA]  }
0x31: {  	[smem:$0x3FB3] =	sst s10  }
0x32: {  	s10 =	sld [smem:$0x3FB1];
	_ =	sdelay $0x3  }
0x33: {  	p0 =	seq.s32 s10, $0x1;
	s10 =	sld [smem:$0x3FB3];
	_ =	sdelay $0x3  }
0x34: {  	[smem:$0x3FB3] =	sst s10  }
0x35: {  	s10 =	sld [smem:$0x3FB2];
	_ =	sdelay $0x3  }
0x36: {  	p1 =	seq.s32 s10, $0x1;
	s10 =	sld [smem:$0x3FB3];
	_ =	sdelay $0x3  }
0x37: {  	[smem:$0x3FB3] =	sst s10  }
0x38: {  	s10 =	sld [smem:$0x3FB4]  }
0x39: {  	_ = 	snop;
	(pc) =	sbr.ind lr, $3  }
0x3a: {  	_ = 	snop  }
0x3b: {  	_ = 	snop  }
0x3c: {  	p2 =	seq.s32 s10, $0x1;
	s10 =	sld [smem:$0x3FB3]  }
0x3d: {  	_ =	shalt  }
0x3e: {  	_ =	shalt  }
0x3f: {  	_ =	shalt  }
0x40: {  	_ =	shalt  }
0x41: {  	_ =	shalt  }
0x42: {  	_ =	shalt  }
0x43: {  	_ =	shalt  }
0x44: {  	_ =	shalt  }
0x45: {  	_ =	shalt  }
0x46: {  	_ =	shalt  }
0x47: {  	_ =	shalt  }
0x48: {  	_ =	shalt  }
0x49: {  	_ =	shalt  }
0x4a: {  	_ =	shalt  }
0x4b: {  	_ =	shalt  }
0x4c: {  	_ =	shalt  }
0x4d: {  	_ =	shalt  }
0x4e: {  	_ =	shalt  }
0x4f: {  	_ =	shalt  }
0x50: {  	_ =	shalt  }
0x51: {  	_ =	shalt  }
0x52: {  	_ =	shalt  }
0x53: {  	_ =	shalt  }
0x54: {  	_ =	shalt  }
0x55: {  	_ =	shalt  }
0x56: {  	_ =	shalt  }
0x57: {  	_ =	shalt  }
0x58: {  	_ =	shalt  }
0x59: {  	_ =	shalt  }
0x5a: {  	_ =	shalt  }
0x5b: {  	_ =	shalt  }
0x5c: {  	_ =	shalt  }
0x5d: {  	_ =	shalt  }
0x5e: {  	_ =	shalt  }
0x5f: {  	_ =	shalt  }
0x60: {  	_ =	shalt  }
0x61: {  	_ =	shalt  }
0x62: {  	_ =	shalt  }
0x63: {  	_ =	shalt  }
0x64: {  	_ =	shalt  }
0x65: {  	_ =	shalt  }
0x66: {  	_ =	shalt  }
0x67: {  	_ =	shalt  }
0x68: {  	_ =	shalt  }
0x69: {  	_ =	shalt  }
0x6a: {  	_ =	shalt  }
0x6b: {  	_ =	shalt  }
0x6c: {  	_ =	shalt  }
0x6d: {  	_ =	shalt  }
0x6e: {  	_ =	shalt  }
0x6f: {  	_ =	shalt  }
0x70: {  	_ =	shalt  }
0x71: {  	_ =	shalt  }
0x72: {  	_ =	shalt  }
0x73: {  	_ =	shalt  }
0x74: {  	_ =	shalt  }
0x75: {  	_ =	shalt  }
0x76: {  	_ =	shalt  }
0x77: {  	_ =	shalt  }
0x78: {  	_ =	shalt  }
0x79: {  	_ =	shalt  }
0x7a: {  	_ =	shalt  }
0x7b: {  	_ =	shalt  }
0x7c: {  	_ =	shalt  }
0x7d: {  	_ =	shalt  }
0x7e: {  	_ =	shalt  }
0x7f: {  	_ =	shalt  }
0x80: {  	_ =	shalt  }
0x81: {  	_ =	shalt  }
0x82: {  	_ =	shalt  }
0x83: {  	_ =	shalt  }
0x84: {  	_ =	shalt  }
0x85: {  	_ =	shalt  }
0x86: {  	_ =	shalt  }
0x87: {  	_ =	shalt  }
.Lfunc_end0:
.L_simem_size_0:
called_computation.1_lowered:
.L_overlay_start_0:
0x88: {  	s2 =	sld [smem:$0x3FD9]  }
0x89: {  	s3 =	sld [smem:$0x3FFE];
	_ =	sdelay $0x1  }
0x8a: {  	s1 =	srdreg.scid  }
0x8b: {  	s0 =	sand.u32 $0x1, s1  }
0x8c: {  	s17 =	sshll.u32 s0, $0xA;
	s2 =	sadd.s32 s3, s2  }
0x8d: {  	s2 =	sadd.s32 s2, s17  }
0x8e: {  	[smem:$0x3FBF] =	sst s2  }
0x8f: {  	_ = 	snop  }
0x90: {  	s2 =	sld [smem:$0x3FD0];
	(tm) =	ssettm $0x1  }
0x91: {  	s18 =	sld [smem:$0x3FFB];
	_ =	sdelay $0x3  }
0x92: {  	_ =	strace s18  }
0x93: {  	s3 =	sld [smem:$0x3FFC];
	_ =	sdelay $0x3  }
0x94: {  	_ =	strace s3  }
0x95: {  	s3 =	sld [smem:$0x3FFD];
	_ =	sdelay $0x3  }
0x96: {  	_ =	strace s3  }
0x97: {  	_ =	strace $0x8FFFFFFF  }
0x98: {  	s19 =	sld [smem:$0x3FDB];
	_ =	sdelay $0x1  }
0x99: {  	s4 =	simm.s32 $_scs_section_size  }
0x9a: {  	s5 =	simm.s32 $_size__tile_overlayer_lowered;
	s6 =	simm.s32 $_tile_overlayer_lowered  }
0x9b: {  	s22 =	simm.s32 $0x1BFF;
	s21 =	sshll.u32 s6, $0x1;
	s3 =	sadd.s32 s4, s19  }
0x9c: {  	s7 =	simm.s32 $0x0;
	s20 =	sshll.u32 s5, $0x1;
	s5 =	sadd.s32 s21, s3  }
0x9d: {  	[timem:s7], [sflag:s22] =	dma.local [hbm:s5], s20  }
0x9e: {  	_ =	swait.ge [sflag:s22], s20  }
0x9f: {  	s4 =	ssub.s32 $0x0, s20;
	[sflag:s22] =	ssyncset.done $0x0  }
0xa0: {  	[sflag:s22] =	ssyncadd.s32 s4;
	_ =	sdelay $0x1  }
0xa1: {  	s23 =	simm.s32 $0x1B8B  }
0xa2: {  	_ =	swait.ge [sflag:s23], $0x1  }
0xa3: {  	[sflag:s23] =	ssyncset.done $0x0  }
0xa4: {  	s25 =	simm.s32 $0x1B8E;
	s24 =	sld [smem:$0x3FFE];
	[sflag:s23] =	ssyncadd.s32 $0xFFFFFFFF  }
0xa5: {  	s26 =	simm.s32 $execute0_lowered;
	[smem:$0x3FD2] =	sst s25  }
0xa6: {  	s5 =	sshll.u32 s26, $0x1;
	_ =	strace $0x80000049;
	[dreg:$0x1] =	wrdreg $0xFFFFFFFF  }
0xa7: {  	s28 =	simm.s32 $_size_execute0_lowered;
	s3 =	sadd.s32 s3, s5;
	[dreg:$0x0] =	wrdreg $0x0  }
0xa8: {  	s5 =	sshll.u32 s28, $0x1;
	[dreg:$0x2] =	wrdreg s3  }
0xa9: {  	[dreg:$0x3] =	wrdreg s5  }
0xaa: {  	[dreg:$0x4] =	wrdreg $0xC0  }
0xab: {  	_ =	task [dreg:s7], $0x5FFFF  }
0xac: {  	[dreg:$0x1] =	wrdreg $0xFFFFFFFF  }
0xad: {  	[dreg:$0x0] =	wrdreg $0x60  }
0xae: {  	[dreg:$0x2] =	wrdreg s24  }
0xaf: {  	[dreg:$0x3] =	wrdreg s2  }
0xb0: {  	[dreg:$0x4] =	wrdreg $0x9  }
0xb1: {  	_ =	task.clear_ibuf [dreg:s7], $0x5FFFF;
	_ =	strace $0x90000049  }
0xb2: {  	s29 =	simm.s32 $0x9;
	_ =	strace $0x8000004B  }
0xb3: {  	_ =	swait.ge [sflag:s29], $0x1  }
0xb4: {  	[sflag:s29] =	ssyncadd.s32 $0xFFFFFFFF  }
0xb5: {  	_ =	strace $0x9000004B  }
0xb6: {  	_ =	sfence  }
0xb7: {  	s30 =	sld [smem:$0x0];
	_ =	sdelay $0x2  }
0xb8: {  	s31 =	sshll.u32 s1, $0xD;
	s1 =	sshrl.u32 s1, $0x2  }
0xb9: {  	s3 =	sand.u32 $0x4000, s31;
	s1 =	sadd.s32 s1, s30  }
0xba: {  	s0 =	sor.u32 s3, s0;
	s1 =	sshll.u32 s1, $0x11  }
0xbb: {  	s0 =	sor.u32 s1, s0  }
0xbc: {  	s0 =	sadd.s32 $0x8F2B, s0  }
0xbd: {  	[sflag:s0] =	ssyncadd.remote.s32 $0x1  }
0xbe: {  	_ =	sfence.sel $0xFFFF  }
0xbf: {  	[dreg:$0x0] =	wrdreg $0xFFFFFFFF;
	(pc) =	sbr.abs _section_cstart, $3  }
0xc0: {  	[dreg:$0x1] =	wrdreg $0xFFFFFFFF  }
0xc1: {  	_ =	task.clear_ibuf [dreg:s7], $0x2FFFF;
	_ =	strace $0x9FFFFFFF  }
0xc2: {  	(tm) =	ssettm $0x7FFFFFFF  }
0xc3: {  	_ =	shalt  }
tec
execute0_lowered:
.L_overlay_start_1:
0x0: {  	(tag) =	ssettag $0x1  }
0x1: {  	s1 =	srdreg.scid;
	s4 =	rddreg [dreg:$0x0]  }
0x2: {  	s0 =	stileid.u32;
	s5 =	rddreg [dreg:$0x1];
	s18 =	simm.s32 $0x880  }
0x3: {  	s19 =	simm.s32 $0x1080;
	s20 =	simm.s32 $0x1880;
	s21 =	simm.s32 $0x2080  }
0x4: {  	s23 =	simm.s32 $0x2880;
	s24 =	simm.s32 $0x3080;
	s25 =	simm.s32 $0x3880  }
0x5: {  	s26 =	simm.s32 $0x4080;
	s7 =	simm.s32 $0x80;
	s9 =	simm.s32 $0x5080  }
0x6: {  	s10 =	simm.s32 $0x5880;
	s11 =	simm.s32 $0x6080;
	s1 =	sand.u32 $0x1, s1  }
0x7: {  	s12 =	simm.s32 $0x6880;
	s2 =	sshll.u32 s0, $0x8;
	s3 =	sshll.u32 s1, $0x7  }
0x8: {  	s13 =	simm.s32 $0x7080;
	s3 =	sor.u32 s3, s2;
	s2 =	simm.s32 $0x0  }
0x9: {  	s14 =	simm.s32 $0x7880;
	s15 =	simm.s32 $0x8080;
	[smem:$0x7FF] =	sst s2  }
0xa: {  	s16 =	simm.s32 $0x8880;
	_ =	strace $0x8000004A;
	[dreg:$0x5] =	wrdreg s18  }
0xb: {  	s17 =	simm.s32 $0x9080;
	s28 =	simm.s32 $0xE080;
	[dreg:$0x6] =	wrdreg s19  }
0xc: {  	s29 =	simm.s32 $0xE880;
	s30 =	simm.s32 $0xF080;
	[dreg:$0x7] =	wrdreg s20  }
0xd: {  	s31 =	simm.s32 $0xF880;
	s1 =	ssub.s32 $0x2, s1;
	[dreg:$0x8] =	wrdreg s21  }
0xe: {  	s22 =	sshrl.u32 s1, $0x1;
	s6 =	sshrl.u32 s3, $0x3;
	[dreg:$0x9] =	wrdreg s23  }
0xf: {  	s3 =	sshll.u32 s3, $0x6;
	s1 =	ssub.s32 s1, s22;
	[dreg:$0xa] =	wrdreg s24  }
0x10: {  	s22 =	simm.s32 $0xB880;
	s6 =	sadd.s32 s6, s4;
	[dreg:$0xb] =	wrdreg s25  }
0x11: {  	s3 =	sadd.s32 s5, s3;
	s5 =	smax.u32 s1, $0x1;
	[dreg:$0xc] =	wrdreg s26  }
0x12: {  	s18 =	simm.s32 $0x9880;
	s19 =	simm.s32 $0xA080;
	s20 =	simm.s32 $0xA880  }
0x13: {  	s21 =	simm.s32 $0xB080;
	s23 =	simm.s32 $0xC080;
	s24 =	simm.s32 $0xC880  }
0x14: {  	v2 =	vlaneseq.u32;
	s25 =	simm.s32 $0xD080;
	s26 =	simm.s32 $0xD880;
	s1 =	simm.s32 $0x1  }
0x15: {  	vm0 =	vmmov $0xffff;
	v1 =	vshrl.u32 v2, $0x3;
	s6 =	sadd.s32 $0xA00, s6;
	[dreg:$0x4] =	wrdreg s3;
	s3 =	sadd.s32 $0xC00, s4  }
0x16: {  	v0 =	vand.u32 $0x7, v2;
	v2 =	vor.u32 $0x8, v2;
	v1 =	vmul.u32 $0x8, v1;
	s4 =	sadd.s32 $0xD00, s4;
	[dreg:$0x3] =	wrdreg s6;
	s6 =	simm.s32 $0x2  }
.LBB2_1:
0x17: {  	s0 =	rddreg [dreg:$0x3]  }
0x18: {  	[tilespmem:s2], [sflag:$0x2] =	stream.linear.gather [hbm4b:s0+s2], $0x80, $0x38;
	[tilespmem:$0x10080] =	vst v63  }
0x19: {  	_ =	swait.ge [sflag:s6], $0x80  }
0x1a: {  	[sflag:s6] =	ssyncset.done $0x0  }
0x1b: {  	[sflag:s6] =	ssyncadd.s32 $0xFFFFFF80  }
0x1c: {  	v3 =	vld [tilespmem:$0x0];
	_ =	sdelay $0x4  }
0x1d: {  	v4 =	vshll.u32 v3, $0x2  }
0x1e: {  	v3 =	vand.u32 $0x7, v3;
	v4 =	vand.u32 $0xFFFFFFE0, v4  }
0x1f: {  	v3 =	vor.u32 v3, v4  }
0x20: {  	v4 =	vperm.xlane v3, v0;
	_ =	sdelay $0x1  }
0x21: {  	v4 =	vadd.s32 v1, v4;
	_ =	sdelay $0x1  }
0x22: {  	v3 =	vperm.xlane v3, v2;
	_ =	sdelay $0x1  }
0x23: {  	v3 =	vadd.s32 v1, v3  }
0x24: {  	[tilespmem:s7], [sflag:$0x1] =	stream.indirect_vreg.gather [hbm4b:s3+s2], $0x80, v4, vm0, $0xb8;
	[tilespmem:$0x10080] =	vst v63  }
0x25: {  	s0 =	rddreg [dreg:$0x5]  }
0x26: {  	[tilespmem:s0], [sflag:$0x1] =	stream.indirect_vreg.gather [hbm4b:s4+s2], $0x80, v4, vm0, $0xb8;
	[tilespmem:$0x10080] =	vst v63  }
0x27: {  	s8 =	rddreg [dreg:$0x6]  }
0x28: {  	[tilespmem:s8], [sflag:$0x1] =	stream.indirect_vreg.gather [hbm4b:s3+s2], $0x80, v3, vm0, $0xb8;
	[tilespmem:$0x10080] =	vst v63  }
0x29: {  	s0 =	rddreg [dreg:$0x7]  }
0x2a: {  	[tilespmem:s0], [sflag:$0x1] =	stream.indirect_vreg.gather [hbm4b:s4+s2], $0x80, v3, vm0, $0xb8;
	[tilespmem:$0x10080] =	vst v63  }
0x2b: {  	v3 =	vld [tilespmem:$0x10];
	_ =	sdelay $0x4  }
0x2c: {  	v57 =	vshll.u32 v3, $0x2  }
0x2d: {  	v3 =	vand.u32 $0x7, v3;
	v4 =	vand.u32 $0xFFFFFFE0, v57  }
0x2e: {  	v3 =	vor.u32 v3, v4  }
0x2f: {  	v4 =	vperm.xlane v3, v0;
	_ =	sdelay $0x1  }
0x30: {  	v4 =	vadd.s32 v1, v4;
	_ =	sdelay $0x1  }
0x31: {  	v3 =	vperm.xlane v3, v2;
	_ =	sdelay $0x1  }
0x32: {  	s0 =	rddreg [dreg:$0x8];
	v3 =	vadd.s32 v1, v3  }
0x33: {  	[tilespmem:s0], [sflag:$0x1] =	stream.indirect_vreg.gather [hbm4b:s3+s2], $0x80, v4, vm0, $0xb8;
	[tilespmem:$0x10080] =	vst v63  }
0x34: {  	s8 =	rddreg [dreg:$0x9]  }
0x35: {  	[tilespmem:s8], [sflag:$0x1] =	stream.indirect_vreg.gather [hbm4b:s4+s2], $0x80, v4, vm0, $0xb8;
	[tilespmem:$0x10080] =	vst v63  }
0x36: {  	s0 =	rddreg [dreg:$0xa]  }
0x37: {  	[tilespmem:s0], [sflag:$0x1] =	stream.indirect_vreg.gather [hbm4b:s3+s2], $0x80, v3, vm0, $0xb8;
	[tilespmem:$0x10080] =	vst v63  }
0x38: {  	s8 =	rddreg [dreg:$0xb]  }
0x39: {  	[tilespmem:s8], [sflag:$0x1] =	stream.indirect_vreg.gather [hbm4b:s4+s2], $0x80, v3, vm0, $0xb8;
	[tilespmem:$0x10080] =	vst v63  }
0x3a: {  	v3 =	vld [tilespmem:$0x20];
	_ =	sdelay $0x4  }
0x3b: {  	v58 =	vshll.u32 v3, $0x2  }
0x3c: {  	v3 =	vand.u32 $0x7, v3;
	v4 =	vand.u32 $0xFFFFFFE0, v58  }
0x3d: {  	v3 =	vor.u32 v3, v4  }
0x3e: {  	v4 =	vperm.xlane v3, v0;
	_ =	sdelay $0x1  }
0x3f: {  	v4 =	vadd.s32 v1, v4;
	_ =	sdelay $0x1  }
0x40: {  	v3 =	vperm.xlane v3, v2;
	_ =	sdelay $0x1  }
0x41: {  	s8 =	rddreg [dreg:$0xc];
	v3 =	vadd.s32 v1, v3  }
0x42: {  	[tilespmem:s8], [sflag:$0x1] =	stream.indirect_vreg.gather [hbm4b:s3+s2], $0x80, v4, vm0, $0xb8;
	[tilespmem:$0x10080] =	vst v63  }
0x43: {  	s8 =	simm.s32 $0x4880  }
0x44: {  	[tilespmem:s8], [sflag:$0x1] =	stream.indirect_vreg.gather [hbm4b:s4+s2], $0x80, v4, vm0, $0xb8;
	[tilespmem:$0x10080] =	vst v63  }
0x45: {  	_ = 	snop  }
0x46: {  	[tilespmem:s9], [sflag:$0x1] =	stream.indirect_vreg.gather [hbm4b:s3+s2], $0x80, v3, vm0, $0xb8;
	[tilespmem:$0x10080] =	vst v63  }
0x47: {  	_ = 	snop  }
0x48: {  	[tilespmem:s10], [sflag:$0x1] =	stream.indirect_vreg.gather [hbm4b:s4+s2], $0x80, v3, vm0, $0xb8;
	[tilespmem:$0x10080] =	vst v63  }
0x49: {  	v3 =	vld [tilespmem:$0x30];
	_ =	sdelay $0x4  }
0x4a: {  	v59 =	vshll.u32 v3, $0x2  }
0x4b: {  	v3 =	vand.u32 $0x7, v3;
	v4 =	vand.u32 $0xFFFFFFE0, v59  }
0x4c: {  	v3 =	vor.u32 v3, v4  }
0x4d: {  	v4 =	vperm.xlane v3, v0;
	_ =	sdelay $0x1  }
0x4e: {  	v4 =	vadd.s32 v1, v4;
	_ =	sdelay $0x1  }
0x4f: {  	v3 =	vperm.xlane v3, v2;
	_ =	sdelay $0x1  }
0x50: {  	v3 =	vadd.s32 v1, v3  }
0x51: {  	[tilespmem:s11], [sflag:$0x1] =	stream.indirect_vreg.gather [hbm4b:s3+s2], $0x80, v4, vm0, $0xb8;
	[tilespmem:$0x10080] =	vst v63  }
0x52: {  	_ = 	snop  }
0x53: {  	[tilespmem:s12], [sflag:$0x1] =	stream.indirect_vreg.gather [hbm4b:s4+s2], $0x80, v4, vm0, $0xb8;
	[tilespmem:$0x10080] =	vst v63  }
0x54: {  	_ = 	snop  }
0x55: {  	[tilespmem:s13], [sflag:$0x1] =	stream.indirect_vreg.gather [hbm4b:s3+s2], $0x80, v3, vm0, $0xb8;
	[tilespmem:$0x10080] =	vst v63  }
0x56: {  	_ = 	snop  }
0x57: {  	[tilespmem:s14], [sflag:$0x1] =	stream.indirect_vreg.gather [hbm4b:s4+s2], $0x80, v3, vm0, $0xb8;
	[tilespmem:$0x10080] =	vst v63  }
0x58: {  	v3 =	vld [tilespmem:$0x40];
	_ =	sdelay $0x4  }
0x59: {  	v60 =	vshll.u32 v3, $0x2  }
0x5a: {  	v3 =	vand.u32 $0x7, v3;
	v4 =	vand.u32 $0xFFFFFFE0, v60  }
0x5b: {  	v3 =	vor.u32 v3, v4  }
0x5c: {  	v4 =	vperm.xlane v3, v0;
	_ =	sdelay $0x1  }
0x5d: {  	v4 =	vadd.s32 v1, v4;
	_ =	sdelay $0x1  }
0x5e: {  	v3 =	vperm.xlane v3, v2;
	_ =	sdelay $0x1  }
0x5f: {  	v3 =	vadd.s32 v1, v3  }
0x60: {  	[tilespmem:s15], [sflag:$0x1] =	stream.indirect_vreg.gather [hbm4b:s3+s2], $0x80, v4, vm0, $0xb8;
	[tilespmem:$0x10080] =	vst v63  }
0x61: {  	_ = 	snop  }
0x62: {  	[tilespmem:s16], [sflag:$0x1] =	stream.indirect_vreg.gather [hbm4b:s4+s2], $0x80, v4, vm0, $0xb8;
	[tilespmem:$0x10080] =	vst v63  }
0x63: {  	_ = 	snop  }
0x64: {  	[tilespmem:s17], [sflag:$0x1] =	stream.indirect_vreg.gather [hbm4b:s3+s2], $0x80, v3, vm0, $0xb8;
	[tilespmem:$0x10080] =	vst v63  }
0x65: {  	_ = 	snop  }
0x66: {  	[tilespmem:s18], [sflag:$0x1] =	stream.indirect_vreg.gather [hbm4b:s4+s2], $0x80, v3, vm0, $0xb8;
	[tilespmem:$0x10080] =	vst v63  }
0x67: {  	v3 =	vld [tilespmem:$0x50];
	_ =	sdelay $0x4  }
0x68: {  	v61 =	vshll.u32 v3, $0x2  }
0x69: {  	v3 =	vand.u32 $0x7, v3;
	v4 =	vand.u32 $0xFFFFFFE0, v61  }
0x6a: {  	v3 =	vor.u32 v3, v4  }
0x6b: {  	v4 =	vperm.xlane v3, v0;
	_ =	sdelay $0x1  }
0x6c: {  	v4 =	vadd.s32 v1, v4;
	_ =	sdelay $0x1  }
0x6d: {  	v3 =	vperm.xlane v3, v2;
	_ =	sdelay $0x1  }
0x6e: {  	v3 =	vadd.s32 v1, v3  }
0x6f: {  	[tilespmem:s19], [sflag:$0x1] =	stream.indirect_vreg.gather [hbm4b:s3+s2], $0x80, v4, vm0, $0xb8;
	[tilespmem:$0x10080] =	vst v63  }
0x70: {  	_ = 	snop  }
0x71: {  	[tilespmem:s20], [sflag:$0x1] =	stream.indirect_vreg.gather [hbm4b:s4+s2], $0x80, v4, vm0, $0xb8;
	[tilespmem:$0x10080] =	vst v63  }
0x72: {  	_ = 	snop  }
0x73: {  	[tilespmem:s21], [sflag:$0x1] =	stream.indirect_vreg.gather [hbm4b:s3+s2], $0x80, v3, vm0, $0xb8;
	[tilespmem:$0x10080] =	vst v63  }
0x74: {  	_ = 	snop  }
0x75: {  	[tilespmem:s22], [sflag:$0x1] =	stream.indirect_vreg.gather [hbm4b:s4+s2], $0x80, v3, vm0, $0xb8;
	[tilespmem:$0x10080] =	vst v63  }
0x76: {  	v3 =	vld [tilespmem:$0x60];
	_ =	sdelay $0x4  }
0x77: {  	v62 =	vshll.u32 v3, $0x2  }
0x78: {  	v3 =	vand.u32 $0x7, v3;
	v4 =	vand.u32 $0xFFFFFFE0, v62  }
0x79: {  	v3 =	vor.u32 v3, v4  }
0x7a: {  	v4 =	vperm.xlane v3, v0;
	_ =	sdelay $0x1  }
0x7b: {  	v4 =	vadd.s32 v1, v4;
	_ =	sdelay $0x1  }
0x7c: {  	v3 =	vperm.xlane v3, v2;
	_ =	sdelay $0x1  }
0x7d: {  	v3 =	vadd.s32 v1, v3  }
0x7e: {  	[tilespmem:s23], [sflag:$0x1] =	stream.indirect_vreg.gather [hbm4b:s3+s2], $0x80, v4, vm0, $0xb8;
	[tilespmem:$0x10080] =	vst v63  }
0x7f: {  	_ = 	snop  }
0x80: {  	[tilespmem:s24], [sflag:$0x1] =	stream.indirect_vreg.gather [hbm4b:s4+s2], $0x80, v4, vm0, $0xb8;
	[tilespmem:$0x10080] =	vst v63  }
0x81: {  	_ = 	snop  }
0x82: {  	[tilespmem:s25], [sflag:$0x1] =	stream.indirect_vreg.gather [hbm4b:s3+s2], $0x80, v3, vm0, $0xb8;
	[tilespmem:$0x10080] =	vst v63  }
0x83: {  	_ = 	snop  }
0x84: {  	[tilespmem:s26], [sflag:$0x1] =	stream.indirect_vreg.gather [hbm4b:s4+s2], $0x80, v3, vm0, $0xb8;
	[tilespmem:$0x10080] =	vst v63  }
0x85: {  	v3 =	vld [tilespmem:$0x70];
	_ =	sdelay $0x4  }
0x86: {  	v63 =	vshll.u32 v3, $0x2  }
0x87: {  	v3 =	vand.u32 $0x7, v3;
	v4 =	vand.u32 $0xFFFFFFE0, v63  }
0x88: {  	v3 =	vor.u32 v3, v4  }
0x89: {  	v4 =	vperm.xlane v3, v0;
	_ =	sdelay $0x1  }
0x8a: {  	v4 =	vadd.s32 v1, v4;
	_ =	sdelay $0x1  }
0x8b: {  	v3 =	vperm.xlane v3, v2;
	_ =	sdelay $0x1  }
0x8c: {  	v3 =	vadd.s32 v1, v3  }
0x8d: {  	[tilespmem:s28], [sflag:$0x1] =	stream.indirect_vreg.gather [hbm4b:s3+s2], $0x80, v4, vm0, $0xb8;
	[tilespmem:$0x10080] =	vst v63  }
0x8e: {  	_ = 	snop  }
0x8f: {  	[tilespmem:s29], [sflag:$0x1] =	stream.indirect_vreg.gather [hbm4b:s4+s2], $0x80, v4, vm0, $0xb8;
	[tilespmem:$0x10080] =	vst v63  }
0x90: {  	_ = 	snop  }
0x91: {  	[tilespmem:s30], [sflag:$0x1] =	stream.indirect_vreg.gather [hbm4b:s3+s2], $0x80, v3, vm0, $0xb8;
	[tilespmem:$0x10080] =	vst v63  }
0x92: {  	_ = 	snop  }
0x93: {  	[tilespmem:s31], [sflag:$0x1] =	stream.indirect_vreg.gather [hbm4b:s4+s2], $0x80, v3, vm0, $0xb8;
	[tilespmem:$0x10080] =	vst v63  }
0x94: {  	_ =	swait.ge [sflag:s1], $0x10000  }
0x95: {  	p0 =	sne.s32 s5, $0x1;
	[sflag:s1] =	ssyncset.done $0x0  }
.Ltmp0:
0x96: {  	s8 =	rddreg [dreg:$0x4];
	[sflag:s1] =	ssyncadd.s32 $0xFFFF0000;
	(pc) =	sbr.rel @p0 .LBB2_1-.Ltmp0, $4  }
0x97: {  	[hbm4b:s8+s2] =	stream.linear.scatter [tilespmem:s7], [sflag:$0x2], $0x10000, $0x38;
	[tilespmem:$0x10080] =	vst v63  }
0x98: {  	_ =	swait.ge [sflag:s6], $0x10000  }
0x99: {  	[sflag:s6] =	ssyncset.done $0x0  }
0x9a: {  	s5 =	sadd.s32 $0xFFFFFFFF, s5;
	[sflag:s6] =	ssyncadd.s32 $0xFFFF0000  }
0x9b: {  	_ =	sfence.sel $0x180000  }
0x9c: {  	[bflag:$0x0] =	sbarrier.arrive $0xFFFF  }
0x9d: {  	_ =	strace $0x9000004A  }
0x9e: {  	s0 =	stileid.u32;
	[bflag:$0x2] =	sbarrier.arrive $0xFFFF  }
0x9f: {  	p0 =	sne.s32 s0, $0x0;
	s0 =	rddreg [dreg:$0x2]  }
0xa0: {  	s0 =	sadd.s32 @!p0 $0x100000, s0  }
0xa1: {  	[sflag:s0] =	ssyncadd.tile.s32 @!p0 $0x1;
	_ =	shalt  }
.Lfunc_end2:
_tile_overlayer_lowered:
.L_overlay_start_2:
0xa2: {  	(tag) =	ssettag $0x2  }
0xa3: {  	s0 =	rddreg [dreg:$0x0];
	s2 =	stileid.u32  }
0xa4: {  	s1 =	rddreg [dreg:$0x1];
	p0 =	sne.s32 s2, $0x0  }
0xa5: {  	s3 =	rddreg [dreg:$0x2];
	[bflag:$0x3] =	sbarrier.arrive $0xFFFF;
	s2 =	simm.s32 @!p0 $0x1C02  }
0xa6: {  	[timem:s3], [sflag:s2] =	dma.local @!p0 [hbm:s0], s1  }
0xa7: {  	s0 =	simm.s32 @!p0 $0x2  }
0xa8: {  	_ =	swait.ge @!p0 [sflag:s0], s1  }
0xa9: {  	s1 =	ssub.s32 @!p0 $0x0, s1;
	[sflag:s0] =	ssyncset.done @!p0 $0x0  }
0xaa: {  	[sflag:s0] =	ssyncadd.s32 @!p0 s1  }
0xab: {  	[bflag:$0x3] =	sbarrier.arrive $0xFFFF  }
0xac: {  	_ =	shalt  }

// kernel: kernel.8.cloned.1.call-start
scs
__scs_entry_jumppad:
0x0: {  	(pc) =	sbr.rel $0x88, $3  }
0x1: {  	(tag) =	ssettag $0x0;
	lr =	simm.s32 $0x1  }
0x2: {  	[smem:$0x3F98] =	sst lr;
	_ =	strace $0xD0000000  }
0x3: {  	_ = 	snop  }
0x4: {  	_ = 	snop  }
0x5: {  	_ = 	snop  }
0x6: {  	_ = 	snop  }
0x7: {  	_ = 	snop  }
__scs_overlays_trampoline_lowered:
0x8: {  	[smem:$0x3FA7] =	sst s0  }
0x9: {  	[smem:$0x3FA8] =	sst s1  }
0xa: {  	[smem:$0x3FA9] =	sst s2  }
0xb: {  	[smem:$0x3FAA] =	sst s3  }
0xc: {  	[smem:$0x3FAB] =	sst s4  }
0xd: {  	[smem:$0x3FAC] =	sst s5  }
0xe: {  	[smem:$0x3FAD] =	sst s6  }
0xf: {  	[smem:$0x3FAE] =	sst s7  }
0x10: {  	[smem:$0x3FAF] =	sst s8  }
0x11: {  	[smem:$0x3FB0] =	sst s9;
	s0 =	simm.s32 @!p0 $0x0  }
0x12: {  	s1 =	sld [smem:$0x3F96];
	s0 =	simm.s32 @p0 $0x1  }
0x13: {  	[smem:$0x3FB1] =	sst s0;
	s0 =	simm.s32 @!p1 $0x0  }
0x14: {  	s2 =	sld [smem:$0x3F95];
	s0 =	simm.s32 @p1 $0x1  }
0x15: {  	[smem:$0x3FB2] =	sst s0;
	s0 =	simm.s32 @!p2 $0x0  }
0x16: {  	s3 =	sld [smem:$0x3FDB];
	s0 =	simm.s32 @p2 $0x1  }
0x17: {  	s4 =	simm.s32 $0x1BF5;
	[smem:$0x3FB4] =	sst s0  }
0x18: {  	s0 =	sld [smem:$0x3F97];
	_ =	swait.ge [sflag:s4], $0x0  }
0x19: {  	s7 =	sld [smem:$0x3F98]  }
0x1a: {  	s8 =	sadd.s32 $0xFFFFE003, lr  }
0x1b: {  	s9 =	sadd.s32 $0xFFFFFEF7, lr;
	s5 =	simm.s32 $0xFFFFFFFF;
	p2 =	slt.u32 s8, $0xFFFFF086  }
0x1c: {  	p1 =	slt.u32 s9, $0xF7A;
	s5 =	simm.s32 @!p2 $0x0  }
0x1d: {  	s5 =	simm.s32 @p1 $0x1;
	p0 =	seq.s32 s7, s2  }
0x1e: {  	s7 =	smul.u32 @!p0 $0xF7A, s2;
	p2 =	seq.s32 @!p0 s5, $0x0  }
0x1f: {  	s9 =	smul.u32 $0xF7A, s1;
	s8 =	simm.s32 @!p0 $0x1BF5;
	p2 =	por !p2, p0  }
0x20: {  	[sflag:s8] =	ssyncset.s32 @!p0 $0xFFFFF086;
	s6 =	sadd.s32 @!p0 s3, s7;
	s7 =	simm.s32 @!p0 $0x108  }
0x21: {  	s3 =	sadd.s32 s3, s9;
	s6 =	sadd.s32 @!p0 $0x88, s6;
	s7 =	simm.s32 @p2 $0x1082  }
0x22: {  	[simem:s7], [sflag:s8] =	dma.local @!p0 [hbm:s6], $0xF7A  }
0x23: {  	s9 =	sor.u32 $0xD0000000, s2;
	s6 =	simm.s32 $0x108;
	_ =	swait.ge @!p0 [sflag:s8], $0x0  }
0x24: {  	s3 =	sadd.s32 $0x88, s3;
	s6 =	simm.s32 @!p1 $0x1082;
	[sflag:s4] =	ssyncset.s32 $0xFFFFF086  }
0x25: {  	[simem:s6], [sflag:s4] =	dma.local [hbm:s3], $0xF7A  }
0x26: {  	[smem:$0x3F98] =	sst s1;
	(tag) =	ssettag s2;
	_ =	strace s9  }
0x27: {  	s1 =	sld [smem:$0x3FA8]  }
0x28: {  	s2 =	sld [smem:$0x3FA9]  }
0x29: {  	s4 =	sld [smem:$0x3FAB]  }
0x2a: {  	p0 =	seq.s32 s5, $0x0;
	s5 =	sld [smem:$0x3FAC]  }
0x2b: {  	s6 =	sld [smem:$0x3FAD]  }
0x2c: {  	s7 =	sld [smem:$0x3FAE]  }
0x2d: {  	s3 =	simm.s32 $0x108;
	s8 =	sld [smem:$0x3FAF]  }
0x2e: {  	s3 =	simm.s32 @!p0 $0x1082;
	s9 =	sld [smem:$0x3FB0]  }
0x2f: {  	lr =	sadd.s32 s0, s3;
	s0 =	sld [smem:$0x3FA7]  }
0x30: {  	s3 =	sld [smem:$0x3FAA]  }
0x31: {  	[smem:$0x3FB3] =	sst s10  }
0x32: {  	s10 =	sld [smem:$0x3FB1];
	_ =	sdelay $0x3  }
0x33: {  	p0 =	seq.s32 s10, $0x1;
	s10 =	sld [smem:$0x3FB3];
	_ =	sdelay $0x3  }
0x34: {  	[smem:$0x3FB3] =	sst s10  }
0x35: {  	s10 =	sld [smem:$0x3FB2];
	_ =	sdelay $0x3  }
0x36: {  	p1 =	seq.s32 s10, $0x1;
	s10 =	sld [smem:$0x3FB3];
	_ =	sdelay $0x3  }
0x37: {  	[smem:$0x3FB3] =	sst s10  }
0x38: {  	s10 =	sld [smem:$0x3FB4]  }
0x39: {  	_ = 	snop;
	(pc) =	sbr.ind lr, $3  }
0x3a: {  	_ = 	snop  }
0x3b: {  	_ = 	snop  }
0x3c: {  	p2 =	seq.s32 s10, $0x1;
	s10 =	sld [smem:$0x3FB3]  }
0x3d: {  	_ =	shalt  }
0x3e: {  	_ =	shalt  }
0x3f: {  	_ =	shalt  }
0x40: {  	_ =	shalt  }
0x41: {  	_ =	shalt  }
0x42: {  	_ =	shalt  }
0x43: {  	_ =	shalt  }
0x44: {  	_ =	shalt  }
0x45: {  	_ =	shalt  }
0x46: {  	_ =	shalt  }
0x47: {  	_ =	shalt  }
0x48: {  	_ =	shalt  }
0x49: {  	_ =	shalt  }
0x4a: {  	_ =	shalt  }
0x4b: {  	_ =	shalt  }
0x4c: {  	_ =	shalt  }
0x4d: {  	_ =	shalt  }
0x4e: {  	_ =	shalt  }
0x4f: {  	_ =	shalt  }
0x50: {  	_ =	shalt  }
0x51: {  	_ =	shalt  }
0x52: {  	_ =	shalt  }
0x53: {  	_ =	shalt  }
0x54: {  	_ =	shalt  }
0x55: {  	_ =	shalt  }
0x56: {  	_ =	shalt  }
0x57: {  	_ =	shalt  }
0x58: {  	_ =	shalt  }
0x59: {  	_ =	shalt  }
0x5a: {  	_ =	shalt  }
0x5b: {  	_ =	shalt  }
0x5c: {  	_ =	shalt  }
0x5d: {  	_ =	shalt  }
0x5e: {  	_ =	shalt  }
0x5f: {  	_ =	shalt  }
0x60: {  	_ =	shalt  }
0x61: {  	_ =	shalt  }
0x62: {  	_ =	shalt  }
0x63: {  	_ =	shalt  }
0x64: {  	_ =	shalt  }
0x65: {  	_ =	shalt  }
0x66: {  	_ =	shalt  }
0x67: {  	_ =	shalt  }
0x68: {  	_ =	shalt  }
0x69: {  	_ =	shalt  }
0x6a: {  	_ =	shalt  }
0x6b: {  	_ =	shalt  }
0x6c: {  	_ =	shalt  }
0x6d: {  	_ =	shalt  }
0x6e: {  	_ =	shalt  }
0x6f: {  	_ =	shalt  }
0x70: {  	_ =	shalt  }
0x71: {  	_ =	shalt  }
0x72: {  	_ =	shalt  }
0x73: {  	_ =	shalt  }
0x74: {  	_ =	shalt  }
0x75: {  	_ =	shalt  }
0x76: {  	_ =	shalt  }
0x77: {  	_ =	shalt  }
0x78: {  	_ =	shalt  }
0x79: {  	_ =	shalt  }
0x7a: {  	_ =	shalt  }
0x7b: {  	_ =	shalt  }
0x7c: {  	_ =	shalt  }
0x7d: {  	_ =	shalt  }
0x7e: {  	_ =	shalt  }
0x7f: {  	_ =	shalt  }
0x80: {  	_ =	shalt  }
0x81: {  	_ =	shalt  }
0x82: {  	_ =	shalt  }
0x83: {  	_ =	shalt  }
0x84: {  	_ =	shalt  }
0x85: {  	_ =	shalt  }
0x86: {  	_ =	shalt  }
0x87: {  	_ =	shalt  }
.Lfunc_end0:
.L_simem_size_0:
called_computation_lowered:
.L_overlay_start_0:
0x88: {  	s2 =	sld [smem:$0x3FD9]  }
0x89: {  	s3 =	sld [smem:$0x3FFE];
	_ =	sdelay $0x1  }
0x8a: {  	s1 =	srdreg.scid  }
0x8b: {  	s0 =	sand.u32 $0x1, s1  }
0x8c: {  	s17 =	sshll.u32 s0, $0xA;
	s2 =	sadd.s32 s3, s2  }
0x8d: {  	s2 =	sadd.s32 s2, s17  }
0x8e: {  	[smem:$0x3FBF] =	sst s2  }
0x8f: {  	_ = 	snop  }
0x90: {  	s2 =	sld [smem:$0x3FD0];
	(tm) =	ssettm $0x1  }
0x91: {  	s18 =	sld [smem:$0x3FFB];
	_ =	sdelay $0x3  }
0x92: {  	_ =	strace s18  }
0x93: {  	s3 =	sld [smem:$0x3FFC];
	_ =	sdelay $0x3  }
0x94: {  	_ =	strace s3  }
0x95: {  	s3 =	sld [smem:$0x3FFD];
	_ =	sdelay $0x3  }
0x96: {  	_ =	strace s3  }
0x97: {  	_ =	strace $0x8FFFFFFF  }
0x98: {  	s19 =	sld [smem:$0x3FDB];
	_ =	sdelay $0x1  }
0x99: {  	s4 =	simm.s32 $_scs_section_size  }
0x9a: {  	s5 =	simm.s32 $_size__tile_overlayer_lowered;
	s6 =	simm.s32 $_tile_overlayer_lowered  }
0x9b: {  	s22 =	simm.s32 $0x1BFF;
	s21 =	sshll.u32 s6, $0x1;
	s3 =	sadd.s32 s4, s19  }
0x9c: {  	s7 =	simm.s32 $0x0;
	s20 =	sshll.u32 s5, $0x1;
	s5 =	sadd.s32 s21, s3  }
0x9d: {  	[timem:s7], [sflag:s22] =	dma.local [hbm:s5], s20  }
0x9e: {  	_ =	swait.ge [sflag:s22], s20  }
0x9f: {  	s4 =	ssub.s32 $0x0, s20;
	[sflag:s22] =	ssyncset.done $0x0  }
0xa0: {  	[sflag:s22] =	ssyncadd.s32 s4;
	_ =	sdelay $0x1  }
0xa1: {  	s23 =	simm.s32 $0x1B8B  }
0xa2: {  	_ =	swait.ge [sflag:s23], $0x1  }
0xa3: {  	[sflag:s23] =	ssyncset.done $0x0  }
0xa4: {  	s25 =	simm.s32 $0x1B8E;
	s24 =	sld [smem:$0x3FFE];
	[sflag:s23] =	ssyncadd.s32 $0xFFFFFFFF  }
0xa5: {  	s26 =	simm.s32 $execute0_lowered;
	[smem:$0x3FD2] =	sst s25  }
0xa6: {  	s5 =	sshll.u32 s26, $0x1;
	_ =	strace $0x80000046;
	[dreg:$0x1] =	wrdreg $0xFFFFFFFF  }
0xa7: {  	s28 =	simm.s32 $_size_execute0_lowered;
	s3 =	sadd.s32 s3, s5;
	[dreg:$0x0] =	wrdreg $0x0  }
0xa8: {  	s5 =	sshll.u32 s28, $0x1;
	[dreg:$0x2] =	wrdreg s3  }
0xa9: {  	[dreg:$0x3] =	wrdreg s5  }
0xaa: {  	[dreg:$0x4] =	wrdreg $0xC0  }
0xab: {  	_ =	task [dreg:s7], $0x5FFFF  }
0xac: {  	[dreg:$0x1] =	wrdreg $0xFFFFFFFF  }
0xad: {  	[dreg:$0x0] =	wrdreg $0x60  }
0xae: {  	[dreg:$0x2] =	wrdreg s2  }
0xaf: {  	[dreg:$0x3] =	wrdreg s24  }
0xb0: {  	[dreg:$0x4] =	wrdreg $0x9  }
0xb1: {  	_ =	task.clear_ibuf [dreg:s7], $0x5FFFF;
	_ =	strace $0x90000046  }
0xb2: {  	s29 =	simm.s32 $0x9;
	_ =	strace $0x80000048  }
0xb3: {  	_ =	swait.ge [sflag:s29], $0x1  }
0xb4: {  	[sflag:s29] =	ssyncadd.s32 $0xFFFFFFFF  }
0xb5: {  	_ =	strace $0x90000048  }
0xb6: {  	_ =	sfence  }
0xb7: {  	s30 =	sld [smem:$0x0];
	_ =	sdelay $0x2  }
0xb8: {  	s31 =	sshll.u32 s1, $0xD;
	s1 =	sshrl.u32 s1, $0x2  }
0xb9: {  	s3 =	sand.u32 $0x4000, s31;
	s1 =	sadd.s32 s1, s30  }
0xba: {  	s0 =	sor.u32 s3, s0;
	s1 =	sshll.u32 s1, $0x11  }
0xbb: {  	s0 =	sor.u32 s1, s0  }
0xbc: {  	s0 =	sadd.s32 $0x8F2B, s0  }
0xbd: {  	[sflag:s0] =	ssyncadd.remote.s32 $0x1  }
0xbe: {  	_ =	sfence.sel $0xFFFF  }
0xbf: {  	[dreg:$0x0] =	wrdreg $0xFFFFFFFF;
	(pc) =	sbr.abs _section_cstart, $3  }
0xc0: {  	[dreg:$0x1] =	wrdreg $0xFFFFFFFF  }
0xc1: {  	_ =	task.clear_ibuf [dreg:s7], $0x2FFFF;
	_ =	strace $0x9FFFFFFF  }
0xc2: {  	(tm) =	ssettm $0x7FFFFFFF  }
0xc3: {  	_ =	shalt  }
tec
execute0_lowered:
.L_overlay_start_1:
0x0: {  	(tag) =	ssettag $0x1  }
0x1: {  	s1 =	srdreg.scid  }
0x2: {  	s0 =	stileid.u32;
	s3 =	rddreg [dreg:$0x0]  }
0x3: {  	s5 =	rddreg [dreg:$0x1];
	s18 =	simm.s32 $0x880;
	s19 =	simm.s32 $0x1080  }
0x4: {  	s20 =	simm.s32 $0x1880;
	s21 =	simm.s32 $0x2080;
	s23 =	simm.s32 $0x2880  }
0x5: {  	s24 =	simm.s32 $0x3080;
	s25 =	simm.s32 $0x3880;
	s26 =	simm.s32 $0x4080  }
0x6: {  	s7 =	simm.s32 $0x80;
	s9 =	simm.s32 $0x5080;
	s10 =	simm.s32 $0x5880  }
0x7: {  	s11 =	simm.s32 $0x6080;
	s12 =	simm.s32 $0x6880;
	s1 =	sand.u32 $0x1, s1  }
0x8: {  	s13 =	simm.s32 $0x7080;
	s2 =	sshll.u32 s0, $0x8;
	s4 =	sshll.u32 s1, $0x7  }
0x9: {  	s14 =	simm.s32 $0x7880;
	s4 =	sor.u32 s4, s2;
	s2 =	simm.s32 $0x0  }
0xa: {  	s15 =	simm.s32 $0x8080;
	s16 =	simm.s32 $0x8880;
	[smem:$0x7FF] =	sst s2  }
0xb: {  	s17 =	simm.s32 $0x9080;
	_ =	strace $0x80000047;
	[dreg:$0x5] =	wrdreg s18  }
0xc: {  	s28 =	simm.s32 $0xE080;
	s29 =	simm.s32 $0xE880;
	[dreg:$0x6] =	wrdreg s19  }
0xd: {  	s30 =	simm.s32 $0xF080;
	s1 =	ssub.s32 $0x2, s1;
	[dreg:$0x7] =	wrdreg s20  }
0xe: {  	s31 =	simm.s32 $0xF880;
	s22 =	sshrl.u32 s1, $0x1;
	[dreg:$0x8] =	wrdreg s21  }
0xf: {  	s6 =	sshrl.u32 s4, $0x3;
	s4 =	sshll.u32 s4, $0x6;
	[dreg:$0x9] =	wrdreg s23  }
0x10: {  	s1 =	ssub.s32 s1, s22;
	s22 =	simm.s32 $0xB880;
	[dreg:$0xa] =	wrdreg s24  }
0x11: {  	s6 =	sadd.s32 s6, s5;
	s4 =	sand.u32 $0x1E000, s4;
	[dreg:$0xb] =	wrdreg s25  }
0x12: {  	[dreg:$0xc] =	wrdreg s26;
	s18 =	simm.s32 $0x9880;
	s19 =	simm.s32 $0xA080  }
0x13: {  	s20 =	simm.s32 $0xA880;
	s21 =	simm.s32 $0xB080;
	s23 =	simm.s32 $0xC080  }
0x14: {  	s24 =	simm.s32 $0xC880;
	s25 =	simm.s32 $0xD080;
	s6 =	sadd.s32 $0xA00, s6  }
0x15: {  	v2 =	vlaneseq.u32;
	s26 =	simm.s32 $0xD880;
	s3 =	sadd.s32 s3, s4;
	[dreg:$0x3] =	wrdreg s6  }
0x16: {  	vm0 =	vmmov $0xffff;
	v1 =	vshrl.u32 v2, $0x3;
	s4 =	sadd.s32 $0xD00, s5;
	[dreg:$0x4] =	wrdreg s3;
	s3 =	sadd.s32 $0xC00, s5  }
0x17: {  	v0 =	vand.u32 $0x7, v2;
	v2 =	vor.u32 $0x8, v2;
	v1 =	vmul.u32 $0x8, v1;
	s5 =	smax.u32 s1, $0x1;
	s6 =	simm.s32 $0x2;
	s1 =	simm.s32 $0x1  }
.LBB2_1:
0x18: {  	s0 =	rddreg [dreg:$0x3]  }
0x19: {  	[tilespmem:s2], [sflag:$0x2] =	stream.linear.gather [hbm4b:s0+s2], $0x80, $0x38;
	[tilespmem:$0x10080] =	vst v63  }
0x1a: {  	_ =	swait.ge [sflag:s6], $0x80  }
0x1b: {  	[sflag:s6] =	ssyncset.done $0x0  }
0x1c: {  	s8 =	rddreg [dreg:$0x4];
	[sflag:s6] =	ssyncadd.s32 $0xFFFFFF80  }
0x1d: {  	[tilespmem:s7], [sflag:$0x2] =	stream.linear.gather [hbm4b:s8+s2], $0x10000, $0x38;
	[tilespmem:$0x10080] =	vst v63  }
0x1e: {  	_ =	swait.ge [sflag:s6], $0x10000  }
0x1f: {  	[sflag:s6] =	ssyncset.done $0x0  }
0x20: {  	[sflag:s6] =	ssyncadd.s32 $0xFFFF0000  }
0x21: {  	v3 =	vld [tilespmem:$0x0];
	_ =	sdelay $0x4  }
0x22: {  	v4 =	vshll.u32 v3, $0x2  }
0x23: {  	v3 =	vand.u32 $0x7, v3;
	v4 =	vand.u32 $0xFFFFFFE0, v4  }
0x24: {  	v3 =	vor.u32 v3, v4  }
0x25: {  	v4 =	vperm.xlane v3, v0;
	_ =	sdelay $0x1  }
0x26: {  	v4 =	vadd.s32 v1, v4;
	_ =	sdelay $0x1  }
0x27: {  	v3 =	vperm.xlane v3, v2;
	_ =	sdelay $0x1  }
0x28: {  	v3 =	vadd.s32 v1, v3  }
0x29: {  	[hbm4b:s3+s2] =	stream.indirect_vreg.scatter [tilespmem:s7], [sflag:$0x1], $0x80, v4, vm0, $0xb8;
	[tilespmem:$0x10080] =	vst v63  }
0x2a: {  	s0 =	rddreg [dreg:$0x5]  }
0x2b: {  	[hbm4b:s4+s2] =	stream.indirect_vreg.scatter [tilespmem:s0], [sflag:$0x1], $0x80, v4, vm0, $0xb8;
	[tilespmem:$0x10080] =	vst v63  }
0x2c: {  	s8 =	rddreg [dreg:$0x6]  }
0x2d: {  	[hbm4b:s3+s2] =	stream.indirect_vreg.scatter [tilespmem:s8], [sflag:$0x1], $0x80, v3, vm0, $0xb8;
	[tilespmem:$0x10080] =	vst v63  }
0x2e: {  	s0 =	rddreg [dreg:$0x7]  }
0x2f: {  	[hbm4b:s4+s2] =	stream.indirect_vreg.scatter [tilespmem:s0], [sflag:$0x1], $0x80, v3, vm0, $0xb8;
	[tilespmem:$0x10080] =	vst v63  }
0x30: {  	v3 =	vld [tilespmem:$0x10];
	_ =	sdelay $0x4  }
0x31: {  	v57 =	vshll.u32 v3, $0x2  }
0x32: {  	v3 =	vand.u32 $0x7, v3;
	v4 =	vand.u32 $0xFFFFFFE0, v57  }
0x33: {  	v3 =	vor.u32 v3, v4  }
0x34: {  	v4 =	vperm.xlane v3, v0;
	_ =	sdelay $0x1  }
0x35: {  	v4 =	vadd.s32 v1, v4;
	_ =	sdelay $0x1  }
0x36: {  	v3 =	vperm.xlane v3, v2;
	_ =	sdelay $0x1  }
0x37: {  	s0 =	rddreg [dreg:$0x8];
	v3 =	vadd.s32 v1, v3  }
0x38: {  	[hbm4b:s3+s2] =	stream.indirect_vreg.scatter [tilespmem:s0], [sflag:$0x1], $0x80, v4, vm0, $0xb8;
	[tilespmem:$0x10080] =	vst v63  }
0x39: {  	s8 =	rddreg [dreg:$0x9]  }
0x3a: {  	[hbm4b:s4+s2] =	stream.indirect_vreg.scatter [tilespmem:s8], [sflag:$0x1], $0x80, v4, vm0, $0xb8;
	[tilespmem:$0x10080] =	vst v63  }
0x3b: {  	s0 =	rddreg [dreg:$0xa]  }
0x3c: {  	[hbm4b:s3+s2] =	stream.indirect_vreg.scatter [tilespmem:s0], [sflag:$0x1], $0x80, v3, vm0, $0xb8;
	[tilespmem:$0x10080] =	vst v63  }
0x3d: {  	s8 =	rddreg [dreg:$0xb]  }
0x3e: {  	[hbm4b:s4+s2] =	stream.indirect_vreg.scatter [tilespmem:s8], [sflag:$0x1], $0x80, v3, vm0, $0xb8;
	[tilespmem:$0x10080] =	vst v63  }
0x3f: {  	v3 =	vld [tilespmem:$0x20];
	_ =	sdelay $0x4  }
0x40: {  	v58 =	vshll.u32 v3, $0x2  }
0x41: {  	v3 =	vand.u32 $0x7, v3;
	v4 =	vand.u32 $0xFFFFFFE0, v58  }
0x42: {  	v3 =	vor.u32 v3, v4  }
0x43: {  	v4 =	vperm.xlane v3, v0;
	_ =	sdelay $0x1  }
0x44: {  	v4 =	vadd.s32 v1, v4;
	_ =	sdelay $0x1  }
0x45: {  	v3 =	vperm.xlane v3, v2;
	_ =	sdelay $0x1  }
0x46: {  	s8 =	rddreg [dreg:$0xc];
	v3 =	vadd.s32 v1, v3  }
0x47: {  	[hbm4b:s3+s2] =	stream.indirect_vreg.scatter [tilespmem:s8], [sflag:$0x1], $0x80, v4, vm0, $0xb8;
	[tilespmem:$0x10080] =	vst v63  }
0x48: {  	s8 =	simm.s32 $0x4880  }
0x49: {  	[hbm4b:s4+s2] =	stream.indirect_vreg.scatter [tilespmem:s8], [sflag:$0x1], $0x80, v4, vm0, $0xb8;
	[tilespmem:$0x10080] =	vst v63  }
0x4a: {  	_ = 	snop  }
0x4b: {  	[hbm4b:s3+s2] =	stream.indirect_vreg.scatter [tilespmem:s9], [sflag:$0x1], $0x80, v3, vm0, $0xb8;
	[tilespmem:$0x10080] =	vst v63  }
0x4c: {  	_ = 	snop  }
0x4d: {  	[hbm4b:s4+s2] =	stream.indirect_vreg.scatter [tilespmem:s10], [sflag:$0x1], $0x80, v3, vm0, $0xb8;
	[tilespmem:$0x10080] =	vst v63  }
0x4e: {  	v3 =	vld [tilespmem:$0x30];
	_ =	sdelay $0x4  }
0x4f: {  	v59 =	vshll.u32 v3, $0x2  }
0x50: {  	v3 =	vand.u32 $0x7, v3;
	v4 =	vand.u32 $0xFFFFFFE0, v59  }
0x51: {  	v3 =	vor.u32 v3, v4  }
0x52: {  	v4 =	vperm.xlane v3, v0;
	_ =	sdelay $0x1  }
0x53: {  	v4 =	vadd.s32 v1, v4;
	_ =	sdelay $0x1  }
0x54: {  	v3 =	vperm.xlane v3, v2;
	_ =	sdelay $0x1  }
0x55: {  	v3 =	vadd.s32 v1, v3  }
0x56: {  	[hbm4b:s3+s2] =	stream.indirect_vreg.scatter [tilespmem:s11], [sflag:$0x1], $0x80, v4, vm0, $0xb8;
	[tilespmem:$0x10080] =	vst v63  }
0x57: {  	_ = 	snop  }
0x58: {  	[hbm4b:s4+s2] =	stream.indirect_vreg.scatter [tilespmem:s12], [sflag:$0x1], $0x80, v4, vm0, $0xb8;
	[tilespmem:$0x10080] =	vst v63  }
0x59: {  	_ = 	snop  }
0x5a: {  	[hbm4b:s3+s2] =	stream.indirect_vreg.scatter [tilespmem:s13], [sflag:$0x1], $0x80, v3, vm0, $0xb8;
	[tilespmem:$0x10080] =	vst v63  }
0x5b: {  	_ = 	snop  }
0x5c: {  	[hbm4b:s4+s2] =	stream.indirect_vreg.scatter [tilespmem:s14], [sflag:$0x1], $0x80, v3, vm0, $0xb8;
	[tilespmem:$0x10080] =	vst v63  }
0x5d: {  	v3 =	vld [tilespmem:$0x40];
	_ =	sdelay $0x4  }
0x5e: {  	v60 =	vshll.u32 v3, $0x2  }
0x5f: {  	v3 =	vand.u32 $0x7, v3;
	v4 =	vand.u32 $0xFFFFFFE0, v60  }
0x60: {  	v3 =	vor.u32 v3, v4  }
0x61: {  	v4 =	vperm.xlane v3, v0;
	_ =	sdelay $0x1  }
0x62: {  	v4 =	vadd.s32 v1, v4;
	_ =	sdelay $0x1  }
0x63: {  	v3 =	vperm.xlane v3, v2;
	_ =	sdelay $0x1  }
0x64: {  	v3 =	vadd.s32 v1, v3  }
0x65: {  	[hbm4b:s3+s2] =	stream.indirect_vreg.scatter [tilespmem:s15], [sflag:$0x1], $0x80, v4, vm0, $0xb8;
	[tilespmem:$0x10080] =	vst v63  }
0x66: {  	_ = 	snop  }
0x67: {  	[hbm4b:s4+s2] =	stream.indirect_vreg.scatter [tilespmem:s16], [sflag:$0x1], $0x80, v4, vm0, $0xb8;
	[tilespmem:$0x10080] =	vst v63  }
0x68: {  	_ = 	snop  }
0x69: {  	[hbm4b:s3+s2] =	stream.indirect_vreg.scatter [tilespmem:s17], [sflag:$0x1], $0x80, v3, vm0, $0xb8;
	[tilespmem:$0x10080] =	vst v63  }
0x6a: {  	_ = 	snop  }
0x6b: {  	[hbm4b:s4+s2] =	stream.indirect_vreg.scatter [tilespmem:s18], [sflag:$0x1], $0x80, v3, vm0, $0xb8;
	[tilespmem:$0x10080] =	vst v63  }
0x6c: {  	v3 =	vld [tilespmem:$0x50];
	_ =	sdelay $0x4  }
0x6d: {  	v61 =	vshll.u32 v3, $0x2  }
0x6e: {  	v3 =	vand.u32 $0x7, v3;
	v4 =	vand.u32 $0xFFFFFFE0, v61  }
0x6f: {  	v3 =	vor.u32 v3, v4  }
0x70: {  	v4 =	vperm.xlane v3, v0;
	_ =	sdelay $0x1  }
0x71: {  	v4 =	vadd.s32 v1, v4;
	_ =	sdelay $0x1  }
0x72: {  	v3 =	vperm.xlane v3, v2;
	_ =	sdelay $0x1  }
0x73: {  	v3 =	vadd.s32 v1, v3  }
0x74: {  	[hbm4b:s3+s2] =	stream.indirect_vreg.scatter [tilespmem:s19], [sflag:$0x1], $0x80, v4, vm0, $0xb8;
	[tilespmem:$0x10080] =	vst v63  }
0x75: {  	_ = 	snop  }
0x76: {  	[hbm4b:s4+s2] =	stream.indirect_vreg.scatter [tilespmem:s20], [sflag:$0x1], $0x80, v4, vm0, $0xb8;
	[tilespmem:$0x10080] =	vst v63  }
0x77: {  	_ = 	snop  }
0x78: {  	[hbm4b:s3+s2] =	stream.indirect_vreg.scatter [tilespmem:s21], [sflag:$0x1], $0x80, v3, vm0, $0xb8;
	[tilespmem:$0x10080] =	vst v63  }
0x79: {  	_ = 	snop  }
0x7a: {  	[hbm4b:s4+s2] =	stream.indirect_vreg.scatter [tilespmem:s22], [sflag:$0x1], $0x80, v3, vm0, $0xb8;
	[tilespmem:$0x10080] =	vst v63  }
0x7b: {  	v3 =	vld [tilespmem:$0x60];
	_ =	sdelay $0x4  }
0x7c: {  	v62 =	vshll.u32 v3, $0x2  }
0x7d: {  	v3 =	vand.u32 $0x7, v3;
	v4 =	vand.u32 $0xFFFFFFE0, v62  }
0x7e: {  	v3 =	vor.u32 v3, v4  }
0x7f: {  	v4 =	vperm.xlane v3, v0;
	_ =	sdelay $0x1  }
0x80: {  	v4 =	vadd.s32 v1, v4;
	_ =	sdelay $0x1  }
0x81: {  	v3 =	vperm.xlane v3, v2;
	_ =	sdelay $0x1  }
0x82: {  	v3 =	vadd.s32 v1, v3  }
0x83: {  	[hbm4b:s3+s2] =	stream.indirect_vreg.scatter [tilespmem:s23], [sflag:$0x1], $0x80, v4, vm0, $0xb8;
	[tilespmem:$0x10080] =	vst v63  }
0x84: {  	_ = 	snop  }
0x85: {  	[hbm4b:s4+s2] =	stream.indirect_vreg.scatter [tilespmem:s24], [sflag:$0x1], $0x80, v4, vm0, $0xb8;
	[tilespmem:$0x10080] =	vst v63  }
0x86: {  	_ = 	snop  }
0x87: {  	[hbm4b:s3+s2] =	stream.indirect_vreg.scatter [tilespmem:s25], [sflag:$0x1], $0x80, v3, vm0, $0xb8;
	[tilespmem:$0x10080] =	vst v63  }
0x88: {  	_ = 	snop  }
0x89: {  	[hbm4b:s4+s2] =	stream.indirect_vreg.scatter [tilespmem:s26], [sflag:$0x1], $0x80, v3, vm0, $0xb8;
	[tilespmem:$0x10080] =	vst v63  }
0x8a: {  	v3 =	vld [tilespmem:$0x70];
	_ =	sdelay $0x4  }
0x8b: {  	v63 =	vshll.u32 v3, $0x2  }
0x8c: {  	v3 =	vand.u32 $0x7, v3;
	v4 =	vand.u32 $0xFFFFFFE0, v63  }
0x8d: {  	v3 =	vor.u32 v3, v4  }
0x8e: {  	v4 =	vperm.xlane v3, v0;
	_ =	sdelay $0x1  }
0x8f: {  	v4 =	vadd.s32 v1, v4;
	_ =	sdelay $0x1  }
0x90: {  	v3 =	vperm.xlane v3, v2;
	_ =	sdelay $0x1  }
0x91: {  	v3 =	vadd.s32 v1, v3  }
0x92: {  	[hbm4b:s3+s2] =	stream.indirect_vreg.scatter [tilespmem:s28], [sflag:$0x1], $0x80, v4, vm0, $0xb8;
	[tilespmem:$0x10080] =	vst v63  }
0x93: {  	_ = 	snop  }
0x94: {  	[hbm4b:s4+s2] =	stream.indirect_vreg.scatter [tilespmem:s29], [sflag:$0x1], $0x80, v4, vm0, $0xb8;
	[tilespmem:$0x10080] =	vst v63  }
0x95: {  	p0 =	sne.s32 s5, $0x1  }
0x96: {  	[hbm4b:s3+s2] =	stream.indirect_vreg.scatter [tilespmem:s30], [sflag:$0x1], $0x80, v3, vm0, $0xb8;
	[tilespmem:$0x10080] =	vst v63  }
.Ltmp0:
0x97: {  	_ = 	snop;
	(pc) =	sbr.rel @p0 .LBB2_1-.Ltmp0, $4  }
0x98: {  	[hbm4b:s4+s2] =	stream.indirect_vreg.scatter [tilespmem:s31], [sflag:$0x1], $0x80, v3, vm0, $0xb8;
	[tilespmem:$0x10080] =	vst v63  }
0x99: {  	_ =	swait.ge [sflag:s1], $0x10000  }
0x9a: {  	[sflag:s1] =	ssyncset.done $0x0  }
0x9b: {  	s5 =	sadd.s32 $0xFFFFFFFF, s5;
	[sflag:s1] =	ssyncadd.s32 $0xFFFF0000  }
0x9c: {  	_ =	sfence.sel $0x180000  }
0x9d: {  	[bflag:$0x0] =	sbarrier.arrive $0xFFFF  }
0x9e: {  	_ =	strace $0x90000047  }
0x9f: {  	s0 =	stileid.u32;
	[bflag:$0x2] =	sbarrier.arrive $0xFFFF  }
0xa0: {  	p0 =	sne.s32 s0, $0x0;
	s0 =	rddreg [dreg:$0x2]  }
0xa1: {  	s0 =	sadd.s32 @!p0 $0x100000, s0  }
0xa2: {  	[sflag:s0] =	ssyncadd.tile.s32 @!p0 $0x1;
	_ =	shalt  }
.Lfunc_end2:
_tile_overlayer_lowered:
.L_overlay_start_2:
0xa3: {  	(tag) =	ssettag $0x2  }
0xa4: {  	s0 =	rddreg [dreg:$0x0];
	s2 =	stileid.u32  }
0xa5: {  	s1 =	rddreg [dreg:$0x1];
	p0 =	sne.s32 s2, $0x0  }
0xa6: {  	s3 =	rddreg [dreg:$0x2];
	[bflag:$0x3] =	sbarrier.arrive $0xFFFF;
	s2 =	simm.s32 @!p0 $0x1C02  }
0xa7: {  	[timem:s3], [sflag:s2] =	dma.local @!p0 [hbm:s0], s1  }
0xa8: {  	s0 =	simm.s32 @!p0 $0x2  }
0xa9: {  	_ =	swait.ge @!p0 [sflag:s0], s1  }
0xaa: {  	s1 =	ssub.s32 @!p0 $0x0, s1;
	[sflag:s0] =	ssyncset.done @!p0 $0x0  }
0xab: {  	[sflag:s0] =	ssyncadd.s32 @!p0 s1  }
0xac: {  	[bflag:$0x3] =	sbarrier.arrive $0xFFFF  }
0xad: {  	_ =	shalt  }

</sc_bundles>
